<compile_context>
chip_gen: v7x
topology: tpu7x:2x2x1
jax: 0.10.2.dev20260603
libtpu: 0.0.44.dev20260713+nightly
codegen_flags: <defaults>
</compile_context>

<pallas_src>
import functools

import jax
import jax.numpy as jnp
from jax import lax
from jax.experimental import pallas as pl
from jax.experimental.pallas import tpu as pltpu
from jax.experimental.pallas import tpu_sc as plsc

N_FIELDS = 26
VOCAB = 100000
EMB_DIM = 16
B = 4096
L = 20
N_DENSE = 13

P = B * L
OUT_ROW = N_FIELDS * EMB_DIM + N_DENSE
NC, NS = 2, 16
NW = NC * NS
PW = P // NW
CHUNK = 128
NCHUNK = PW // CHUNK
IDXC = CHUNK * N_FIELDS
NVEC = IDXC // 16
ASM_WORDS = CHUNK * OUT_ROW
NF_WORDS = CHUNK * N_DENSE


def _sc_body(table_hbm, c_hbm, nf_hbm, out_hbm,
             raw_v, idx2d, gath, nf_v, asm, sem):
    wid = lax.axis_index("s") * NC + lax.axis_index("c")
    pos0 = wid * PW
    iota = lax.iota(jnp.int32, 16)
    mask13 = iota < N_DENSE

    def chunk_body(ci, carry):
        base = pos0 + ci * CHUNK

        pltpu.sync_copy(c_hbm.at[pl.ds(base * N_FIELDS, IDXC)], raw_v)
        pltpu.sync_copy(nf_hbm.at[pl.ds(base * N_DENSE, NF_WORDS)],
                        nf_v.at[pl.ds(0, NF_WORDS)])

        def idx_body(vi, c2):
            n0 = vi * 16
            n = iota + n0
            off = (n % N_FIELDS) * VOCAB
            v = raw_v[pl.ds(n0, 16)] + off
            idx2d[vi // 8, pl.ds((vi % 8) * 16, 16)] = v
            return c2
        lax.fori_loop(0, NVEC, idx_body, 0)

        copies = []
        for j in range(N_FIELDS):
            copies.append(pltpu.async_copy(
                table_hbm.at[idx2d.at[j]],
                gath.at[pl.ds(j * CHUNK, CHUNK)], sem))
        for cp in copies:
            cp.wait()

        def pos_body(p, c2):
            pr = p * OUT_ROW
            r0 = p * N_FIELDS
            for f in range(N_FIELDS):
                row = gath[r0 + f]
                plsc.store_scatter(asm, [pr + f * EMB_DIM + iota], row)
            dn = plsc.load_gather(nf_v, [p * N_DENSE + iota])
            plsc.store_scatter(asm, [pr + N_FIELDS * EMB_DIM + iota],
                               dn, mask=mask13)
            return c2
        lax.fori_loop(0, CHUNK, pos_body, 0)

        pltpu.sync_copy(asm, out_hbm.at[pl.ds(base * OUT_ROW, ASM_WORDS)])
        return carry

    lax.fori_loop(0, NCHUNK, chunk_body, 0)


@jax.jit
def _concat_emb(table_flat, c_flat, nf_flat):
    mesh = plsc.VectorSubcoreMesh(core_axis_name="c", subcore_axis_name="s")
    k = functools.partial(
        pl.kernel,
        out_type=jax.ShapeDtypeStruct((P * OUT_ROW,), jnp.float32),
        mesh=mesh,
        compiler_params=pltpu.CompilerParams(needs_layout_passes=False,
                                             use_tc_tiling_on_sc=False),
        scratch_types=[
            pltpu.VMEM((IDXC,), jnp.int32),
            pltpu.VMEM((N_FIELDS, CHUNK), jnp.int32),
            pltpu.VMEM((IDXC, EMB_DIM), jnp.float32),
            pltpu.VMEM((NF_WORDS + 16,), jnp.float32),
            pltpu.VMEM((ASM_WORDS,), jnp.float32),
            pltpu.SemaphoreType.DMA,
        ],
    )(_sc_body)
    return k(table_flat, c_flat, nf_flat)


def kernel(n_features, c_features, tables):
    table_flat = tables.reshape(N_FIELDS * VOCAB, EMB_DIM)
    c_flat = c_features.astype(jnp.int32).reshape(-1)
    nf_flat = n_features.astype(jnp.float32).reshape(-1)
    out = _concat_emb(table_flat, c_flat, nf_flat)
    return out.reshape(B, L, OUT_ROW)

# --- scband reference (transcript-rebuilt; emitter-appended) ---
"""Pipeline reference for scband-simple-concat-emb-36498632081525 (READ-ONLY COPY).

The authoritative reference and input builder live on the scoring server;
editing this copy changes nothing except your own understanding.
"""

import jax, jax.numpy as jnp
import numpy as np

N_FIELDS = 26
VOCAB = 100000
EMB_DIM = 16
B = 4096
L = 20
N_DENSE = 13

def setup_inputs(seed: int = 0) -> dict:
    key = jax.random.key(seed)
    k1, k2, k3 = jax.random.split(key, 3)
    n_features = jax.random.normal(k1, (B, L, N_DENSE), dtype=jnp.float32)
    c_features = jax.random.randint(k2, (B, L, N_FIELDS), 0, VOCAB, dtype=jnp.int64)
    # Xavier-uniform initialized embedding tables, one per field (all same size -> stacked)
    limit = np.sqrt(6.0 / (VOCAB + EMB_DIM))
    tables = jax.random.uniform(k3, (N_FIELDS, VOCAB, EMB_DIM), dtype=jnp.float32, minval=-limit, maxval=limit)
    return {"n_features": n_features, "c_features": c_features, "tables": tables}

def reference(n_features, c_features, tables):
    c_feature_emb_list = []
    for i in range(N_FIELDS):
        feature = c_features[:, :, i]
        tmp_c_feature_emb = jnp.take(tables[i], feature, axis=0)
        c_feature_emb_list.append(tmp_c_feature_emb)
    concatenated_c = jnp.concatenate(c_feature_emb_list, axis=-1).astype(jnp.float32)
    n_features = n_features.astype(jnp.float32)
    concatenated = jnp.concatenate([concatenated_c, n_features], axis=-1)
    return concatenated

if __name__ == "__main__":
    import jax
    _d = setup_inputs()
    print(jax.jit(kernel)(*tuple(_d.values())))

</pallas_src>

<mosaic_0001>
#map = affine_map<(d0, d1) -> (0, 0)>
#map1 = affine_map<(d0, d1) -> (0)>
module attributes {stable_mosaic.version = 14 : i64} {
  func.func @_sc_body(%arg0: i32, %arg1: i32, %arg2: memref<2600000x16xf32, #tpu.memory_space<hbm>>, %arg3: memref<2129920xi32, #tpu.memory_space<hbm>>, %arg4: memref<1064960xf32, #tpu.memory_space<hbm>>, %arg5: memref<35143680xf32, #tpu.memory_space<hbm>>, %arg6: memref<3328xi32, #tpu.memory_space<vmem>>, %arg7: memref<26x128xi32, #tpu.memory_space<vmem>>, %arg8: memref<3328x16xf32, #tpu.memory_space<vmem>>, %arg9: memref<1680xf32, #tpu.memory_space<vmem>>, %arg10: memref<54912xf32, #tpu.memory_space<vmem>>, %arg11: memref<!tpu.dma_semaphore, #tpu.memory_space<semaphore_mem>>) attributes {dimension_semantics = [#tpu.dimension_semantics<core_parallel>, #tpu.dimension_semantics<subcore_parallel>], iteration_bounds = array<i64: 2, 16>, scalar_prefetch = 0 : i64, scratch_operands = 6 : i64, tpu.core_type = #tpu.core_type<sc_vector_subcore>, window_params = [{transform_indices = #map}, {transform_indices = #map1}, {transform_indices = #map1}, {transform_indices = #map1}]} {
    %mul3A = arith.constant 2 : i32
    %mul3A_0 = arith.muli %arg1, %mul3A : i32
    %add3A = arith.addi %mul3A_0, %arg0 : i32
    %mul3A_1 = arith.constant 2560 : i32
    %mul3A_2 = arith.muli %add3A, %mul3A_1 : i32
    %iota3A = tpu.iota {dimensions = array<i32: 0>} : vector<16xi32>
    %lt3A = arith.constant 13 : i32
    %lt3A_3 = vector.broadcast %lt3A : i32 to vector<16xi32>
    %lt3A_4 = arith.cmpi slt, %iota3A, %lt3A_3 : vector<16xi32>
    %scan3A = arith.constant 0 : i32
    %scan3A_5 = arith.constant 0 : i32
    %scan3A_6 = arith.constant 20 : i32
    %scan3A_7 = arith.addi %scan3A_5, %scan3A_6 : i32
    %scan3A_8 = arith.constant 1 : i32
    scf.for %scan3A_10 = %scan3A_5 to %scan3A_7 step %scan3A_8  : i32 {
      %mul3A_11 = arith.constant 128 : i32
      %mul3A_12 = arith.muli %scan3A_10, %mul3A_11 : i32
      %add3A_13 = arith.addi %mul3A_2, %mul3A_12 : i32
      %mul3A_14 = arith.constant 26 : i32
      %mul3A_15 = arith.muli %add3A_13, %mul3A_14 : i32
      "tpu.region"() ({
        %run_scoped3A = tpu.sem_alloc : memref<!tpu.dma_semaphore, #tpu.memory_space<semaphore_mem>>
        %dma_start3A_550 = tpu.memref_slice %arg3[%mul3A_15] : memref<2129920xi32, #tpu.memory_space<hbm>> -> memref<3328xi32, #tpu.memory_space<hbm>>
        %dma_start3A_551 = tpu.memref_slice %arg3[%mul3A_15] : memref<2129920xi32, #tpu.memory_space<hbm>> -> memref<3328xi32, #tpu.memory_space<hbm>>
        tpu.enqueue_dma source(%dma_start3A_551 : memref<3328xi32, #tpu.memory_space<hbm>>) target(%arg6 : memref<3328xi32, #tpu.memory_space<vmem>>) target_semaphore(%run_scoped3A : memref<!tpu.dma_semaphore, #tpu.memory_space<semaphore_mem>>)
        %dma_wait3A_552 = tpu.memref_slice %arg3[%mul3A_15] : memref<2129920xi32, #tpu.memory_space<hbm>> -> memref<3328xi32, #tpu.memory_space<hbm>>
        %dma_wait3A_553 = tpu.memref_slice %arg3[%mul3A_15] : memref<2129920xi32, #tpu.memory_space<hbm>> -> memref<3328xi32, #tpu.memory_space<hbm>>
        tpu.wait_dma2 semaphore(%run_scoped3A : memref<!tpu.dma_semaphore, #tpu.memory_space<semaphore_mem>>) src(%dma_wait3A_553 : memref<3328xi32, #tpu.memory_space<hbm>>) dst(%arg6 : memref<3328xi32, #tpu.memory_space<vmem>>)
        tpu.yield
      }) : () -> ()
      %mul3A_16 = arith.constant 13 : i32
      %mul3A_17 = arith.muli %add3A_13, %mul3A_16 : i32
      "tpu.region"() ({
        %run_scoped3A = tpu.sem_alloc : memref<!tpu.dma_semaphore, #tpu.memory_space<semaphore_mem>>
        %dma_start3A_550 = arith.constant 0 : i32
        %dma_start3A_551 = tpu.memref_slice %arg9[%dma_start3A_550] : memref<1680xf32, #tpu.memory_space<vmem>> -> memref<1664xf32, #tpu.memory_space<vmem>>
        %dma_start3A_552 = tpu.memref_slice %arg4[%mul3A_17] : memref<1064960xf32, #tpu.memory_space<hbm>> -> memref<1664xf32, #tpu.memory_space<hbm>>
        %dma_start3A_553 = arith.constant 0 : i32
        %dma_start3A_554 = tpu.memref_slice %arg9[%dma_start3A_553] : memref<1680xf32, #tpu.memory_space<vmem>> -> memref<1664xf32, #tpu.memory_space<vmem>>
        %dma_start3A_555 = tpu.memref_slice %arg4[%mul3A_17] : memref<1064960xf32, #tpu.memory_space<hbm>> -> memref<1664xf32, #tpu.memory_space<hbm>>
        tpu.enqueue_dma source(%dma_start3A_555 : memref<1664xf32, #tpu.memory_space<hbm>>) target(%dma_start3A_554 : memref<1664xf32, #tpu.memory_space<vmem>>) target_semaphore(%run_scoped3A : memref<!tpu.dma_semaphore, #tpu.memory_space<semaphore_mem>>)
        %dma_wait3A_556 = arith.constant 0 : i32
        %dma_wait3A_557 = tpu.memref_slice %arg9[%dma_wait3A_556] : memref<1680xf32, #tpu.memory_space<vmem>> -> memref<1664xf32, #tpu.memory_space<vmem>>
        %dma_wait3A_558 = tpu.memref_slice %arg4[%mul3A_17] : memref<1064960xf32, #tpu.memory_space<hbm>> -> memref<1664xf32, #tpu.memory_space<hbm>>
        %dma_wait3A_559 = arith.constant 0 : i32
        %dma_wait3A_560 = tpu.memref_slice %arg9[%dma_wait3A_559] : memref<1680xf32, #tpu.memory_space<vmem>> -> memref<1664xf32, #tpu.memory_space<vmem>>
        %dma_wait3A_561 = tpu.memref_slice %arg4[%mul3A_17] : memref<1064960xf32, #tpu.memory_space<hbm>> -> memref<1664xf32, #tpu.memory_space<hbm>>
        tpu.wait_dma2 semaphore(%run_scoped3A : memref<!tpu.dma_semaphore, #tpu.memory_space<semaphore_mem>>) src(%dma_wait3A_561 : memref<1664xf32, #tpu.memory_space<hbm>>) dst(%dma_wait3A_560 : memref<1664xf32, #tpu.memory_space<vmem>>)
        tpu.yield
      }) : () -> ()
      %scan3A_18 = arith.constant 0 : i32
      %scan3A_19 = arith.constant 0 : i32
      %scan3A_20 = arith.constant 208 : i32
      %scan3A_21 = arith.addi %scan3A_19, %scan3A_20 : i32
      %scan3A_22 = arith.constant 1 : i32
      scf.for %scan3A_550 = %scan3A_19 to %scan3A_21 step %scan3A_22  : i32 {
        %mul3A_551 = arith.constant 16 : i32
        %mul3A_552 = arith.muli %scan3A_550, %mul3A_551 : i32
        %add3A_553 = vector.broadcast %mul3A_552 : i32 to vector<16xi32>
        %add3A_554 = arith.addi %iota3A, %add3A_553 : vector<16xi32>
        %jit3A = arith.constant 26 : i32
        %eq3A = arith.constant 0 : i32
        %eq3A_555 = arith.cmpi eq, %jit3A, %eq3A : i32
        %jit3A_556 = arith.constant 1 : i32
        %select_n3A = arith.select %eq3A_555, %jit3A_556, %jit3A : i32
        %rem3A = vector.broadcast %select_n3A : i32 to vector<16xi32>
        %rem3A_557 = arith.remsi %add3A_554, %rem3A : vector<16xi32>
        %ne3A = arith.constant 0 : i32
        %ne3A_558 = vector.broadcast %ne3A : i32 to vector<16xi32>
        %ne3A_559 = arith.cmpi ne, %rem3A_557, %ne3A_558 : vector<16xi32>
        %lt3A_560 = arith.constant 0 : i32
        %lt3A_561 = vector.broadcast %lt3A_560 : i32 to vector<16xi32>
        %lt3A_562 = arith.cmpi slt, %rem3A_557, %lt3A_561 : vector<16xi32>
        %lt3A_563 = arith.constant 0 : i32
        %lt3A_564 = arith.cmpi slt, %select_n3A, %lt3A_563 : i32
        %ne3A_565 = vector.broadcast %lt3A_564 : i1 to vector<16xi1>
        %ne3A_566 = vector.broadcast %ne3A_565 : vector<16xi1> to vector<16xi1>
        %ne3A_567 = arith.xori %lt3A_562, %ne3A_566 : vector<16xi1>
        %and3A = arith.andi %ne3A_567, %ne3A_559 : vector<16xi1>
        %add3A_568 = vector.broadcast %select_n3A : i32 to vector<16xi32>
        %add3A_569 = arith.addi %rem3A_557, %add3A_568 : vector<16xi32>
        %select_n3A_570 = arith.select %and3A, %add3A_569, %rem3A_557 : vector<16xi1>, vector<16xi32>
        %mul3A_571 = arith.constant 100000 : i32
        %mul3A_572 = vector.broadcast %mul3A_571 : i32 to vector<16xi32>
        %mul3A_573 = arith.muli %select_n3A_570, %mul3A_572 : vector<16xi32>
        %get3A = arith.index_cast %mul3A_552 : i32 to index
        %get3A_574 = tpu.vector_load %arg6[%get3A] {strides = array<i32>} : memref<3328xi32, #tpu.memory_space<vmem>>, vector<16xi32>,
        %add3A_575 = arith.addi %get3A_574, %mul3A_573 : vector<16xi32>
        %jit3A_576 = arith.constant 8 : i32
        %div3A = arith.divsi %scan3A_550, %jit3A_576 : i32
        %sign3A = arith.constant 0 : i32
        %sign3A_577 = arith.cmpi sgt, %scan3A_550, %sign3A : i32
        %sign3A_578 = arith.extui %sign3A_577 : i1 to i32
        %sign3A_579 = arith.constant 0 : i32
        %sign3A_580 = arith.cmpi slt, %scan3A_550, %sign3A_579 : i32
        %sign3A_581 = arith.extui %sign3A_580 : i1 to i32
        %sign3A_582 = arith.subi %sign3A_578, %sign3A_581 : i32
        %sign3A_583 = arith.constant 0 : i32
        %sign3A_584 = arith.cmpi sgt, %jit3A_576, %sign3A_583 : i32
        %sign3A_585 = arith.extui %sign3A_584 : i1 to i32
        %sign3A_586 = arith.constant 0 : i32
        %sign3A_587 = arith.cmpi slt, %jit3A_576, %sign3A_586 : i32
        %sign3A_588 = arith.extui %sign3A_587 : i1 to i32
        %sign3A_589 = arith.subi %sign3A_585, %sign3A_588 : i32
        %ne3A_590 = arith.cmpi ne, %sign3A_582, %sign3A_589 : i32
        %rem3A_591 = arith.remsi %scan3A_550, %jit3A_576 : i32
        %ne3A_592 = arith.constant 0 : i32
        %ne3A_593 = arith.cmpi ne, %rem3A_591, %ne3A_592 : i32
        %and3A_594 = arith.andi %ne3A_590, %ne3A_593 : i1
        %sub3A = arith.constant 1 : i32
        %sub3A_595 = arith.subi %div3A, %sub3A : i32
        %select_n3A_596 = arith.select %and3A_594, %sub3A_595, %div3A : i32
        %jit3A_597 = arith.constant 8 : i32
        %eq3A_598 = arith.constant 0 : i32
        %eq3A_599 = arith.cmpi eq, %jit3A_597, %eq3A_598 : i32
        %jit3A_600 = arith.constant 1 : i32
        %select_n3A_601 = arith.select %eq3A_599, %jit3A_600, %jit3A_597 : i32
        %rem3A_602 = arith.remsi %scan3A_550, %select_n3A_601 : i32
        %ne3A_603 = arith.constant 0 : i32
        %ne3A_604 = arith.cmpi ne, %rem3A_602, %ne3A_603 : i32
        %lt3A_605 = arith.constant 0 : i32
        %lt3A_606 = arith.cmpi slt, %rem3A_602, %lt3A_605 : i32
        %lt3A_607 = arith.constant 0 : i32
        %lt3A_608 = arith.cmpi slt, %select_n3A_601, %lt3A_607 : i32
        %ne3A_609 = arith.xori %lt3A_606, %lt3A_608 : i1
        %and3A_610 = arith.andi %ne3A_609, %ne3A_604 : i1
        %add3A_611 = arith.addi %rem3A_602, %select_n3A_601 : i32
        %select_n3A_612 = arith.select %and3A_610, %add3A_611, %rem3A_602 : i32
        %mul3A_613 = arith.constant 16 : i32
        %mul3A_614 = arith.muli %select_n3A_612, %mul3A_613 : i32
        %swap3A = arith.index_cast %select_n3A_596 : i32 to index
        %swap3A_615 = arith.index_cast %mul3A_614 : i32 to index
        %swap3A_616 = tpu.vector_load %arg7[%swap3A, %swap3A_615] {strides = array<i32>} : memref<26x128xi32, #tpu.memory_space<vmem>>, vector<16xi32>,
        tpu.vector_store %arg7[%swap3A, %swap3A_615], %add3A_575 {strides = array<i32>} : memref<26x128xi32, #tpu.memory_space<vmem>>, vector<16xi32>,
      }
      %scan3A_23 = arith.constant 208 : i32
      %dma_start3A = arith.constant 0 : i32
      %dma_start3A_24 = arith.constant 0 : i32
      %dma_start3A_25 = arith.constant 0 : i32
      %dma_start3A_26 = tpu.memref_slice %arg8[%dma_start3A_24, %dma_start3A_25] : memref<3328x16xf32, #tpu.memory_space<vmem>> -> memref<128x16xf32, #tpu.memory_space<vmem>>
      %dma_start3A_27 = arith.constant 0 : i32
      %dma_start3A_28 = tpu.memref_slice %arg7[%dma_start3A, %dma_start3A_27] : memref<26x128xi32, #tpu.memory_space<vmem>> -> memref<1x128xi32, #tpu.memory_space<vmem>>
      %dma_start3A_29 = tpu.memref_squeeze %dma_start3A_28 : memref<1x128xi32, #tpu.memory_space<vmem>> -> memref<128xi32, #tpu.memory_space<vmem>>
      %dma_start3A_30 = arith.constant 0 : i32
      %dma_start3A_31 = arith.constant 0 : i32
      %dma_start3A_32 = tpu.memref_slice %arg2[%dma_start3A_30, %dma_start3A_31] : memref<2600000x16xf32, #tpu.memory_space<hbm>> -> memref<2600000x16xf32, #tpu.memory_space<hbm>>
      tpu.enqueue_indirect_dma source(%dma_start3A_32 : memref<2600000x16xf32, #tpu.memory_space<hbm>>) target(%dma_start3A_26 : memref<128x16xf32, #tpu.memory_space<vmem>>) offsets(%dma_start3A_29 : memref<128xi32, #tpu.memory_space<vmem>>) semaphore(%arg11 : memref<!tpu.dma_semaphore, #tpu.memory_space<semaphore_mem>>)
      %dma_start3A_33 = arith.constant 1 : i32
      %dma_start3A_34 = arith.constant 128 : i32
      %dma_start3A_35 = arith.constant 0 : i32
      %dma_start3A_36 = tpu.memref_slice %arg8[%dma_start3A_34, %dma_start3A_35] : memref<3328x16xf32, #tpu.memory_space<vmem>> -> memref<128x16xf32, #tpu.memory_space<vmem>>
      %dma_start3A_37 = arith.constant 0 : i32
      %dma_start3A_38 = tpu.memref_slice %arg7[%dma_start3A_33, %dma_start3A_37] : memref<26x128xi32, #tpu.memory_space<vmem>> -> memref<1x128xi32, #tpu.memory_space<vmem>>
      %dma_start3A_39 = tpu.memref_squeeze %dma_start3A_38 : memref<1x128xi32, #tpu.memory_space<vmem>> -> memref<128xi32, #tpu.memory_space<vmem>>
      %dma_start3A_40 = arith.constant 0 : i32
      %dma_start3A_41 = arith.constant 0 : i32
      %dma_start3A_42 = tpu.memref_slice %arg2[%dma_start3A_40, %dma_start3A_41] : memref<2600000x16xf32, #tpu.memory_space<hbm>> -> memref<2600000x16xf32, #tpu.memory_space<hbm>>
      tpu.enqueue_indirect_dma source(%dma_start3A_42 : memref<2600000x16xf32, #tpu.memory_space<hbm>>) target(%dma_start3A_36 : memref<128x16xf32, #tpu.memory_space<vmem>>) offsets(%dma_start3A_39 : memref<128xi32, #tpu.memory_space<vmem>>) semaphore(%arg11 : memref<!tpu.dma_semaphore, #tpu.memory_space<semaphore_mem>>)
      %dma_start3A_43 = arith.constant 2 : i32
      %dma_start3A_44 = arith.constant 256 : i32
      %dma_start3A_45 = arith.constant 0 : i32
      %dma_start3A_46 = tpu.memref_slice %arg8[%dma_start3A_44, %dma_start3A_45] : memref<3328x16xf32, #tpu.memory_space<vmem>> -> memref<128x16xf32, #tpu.memory_space<vmem>>
      %dma_start3A_47 = arith.constant 0 : i32
      %dma_start3A_48 = tpu.memref_slice %arg7[%dma_start3A_43, %dma_start3A_47] : memref<26x128xi32, #tpu.memory_space<vmem>> -> memref<1x128xi32, #tpu.memory_space<vmem>>
      %dma_start3A_49 = tpu.memref_squeeze %dma_start3A_48 : memref<1x128xi32, #tpu.memory_space<vmem>> -> memref<128xi32, #tpu.memory_space<vmem>>
      %dma_start3A_50 = arith.constant 0 : i32
      %dma_start3A_51 = arith.constant 0 : i32
      %dma_start3A_52 = tpu.memref_slice %arg2[%dma_start3A_50, %dma_start3A_51] : memref<2600000x16xf32, #tpu.memory_space<hbm>> -> memref<2600000x16xf32, #tpu.memory_space<hbm>>
      tpu.enqueue_indirect_dma source(%dma_start3A_52 : memref<2600000x16xf32, #tpu.memory_space<hbm>>) target(%dma_start3A_46 : memref<128x16xf32, #tpu.memory_space<vmem>>) offsets(%dma_start3A_49 : memref<128xi32, #tpu.memory_space<vmem>>) semaphore(%arg11 : memref<!tpu.dma_semaphore, #tpu.memory_space<semaphore_mem>>)
      %dma_start3A_53 = arith.constant 3 : i32
      %dma_start3A_54 = arith.constant 384 : i32
      %dma_start3A_55 = arith.constant 0 : i32
      %dma_start3A_56 = tpu.memref_slice %arg8[%dma_start3A_54, %dma_start3A_55] : memref<3328x16xf32, #tpu.memory_space<vmem>> -> memref<128x16xf32, #tpu.memory_space<vmem>>
      %dma_start3A_57 = arith.constant 0 : i32
      %dma_start3A_58 = tpu.memref_slice %arg7[%dma_start3A_53, %dma_start3A_57] : memref<26x128xi32, #tpu.memory_space<vmem>> -> memref<1x128xi32, #tpu.memory_space<vmem>>
      %dma_start3A_59 = tpu.memref_squeeze %dma_start3A_58 : memref<1x128xi32, #tpu.memory_space<vmem>> -> memref<128xi32, #tpu.memory_space<vmem>>
      %dma_start3A_60 = arith.constant 0 : i32
      %dma_start3A_61 = arith.constant 0 : i32
      %dma_start3A_62 = tpu.memref_slice %arg2[%dma_start3A_60, %dma_start3A_61] : memref<2600000x16xf32, #tpu.memory_space<hbm>> -> memref<2600000x16xf32, #tpu.memory_space<hbm>>
      tpu.enqueue_indirect_dma source(%dma_start3A_62 : memref<2600000x16xf32, #tpu.memory_space<hbm>>) target(%dma_start3A_56 : memref<128x16xf32, #tpu.memory_space<vmem>>) offsets(%dma_start3A_59 : memref<128xi32, #tpu.memory_space<vmem>>) semaphore(%arg11 : memref<!tpu.dma_semaphore, #tpu.memory_space<semaphore_mem>>)
      %dma_start3A_63 = arith.constant 4 : i32
      %dma_start3A_64 = arith.constant 512 : i32
      %dma_start3A_65 = arith.constant 0 : i32
      %dma_start3A_66 = tpu.memref_slice %arg8[%dma_start3A_64, %dma_start3A_65] : memref<3328x16xf32, #tpu.memory_space<vmem>> -> memref<128x16xf32, #tpu.memory_space<vmem>>
      %dma_start3A_67 = arith.constant 0 : i32
      %dma_start3A_68 = tpu.memref_slice %arg7[%dma_start3A_63, %dma_start3A_67] : memref<26x128xi32, #tpu.memory_space<vmem>> -> memref<1x128xi32, #tpu.memory_space<vmem>>
      %dma_start3A_69 = tpu.memref_squeeze %dma_start3A_68 : memref<1x128xi32, #tpu.memory_space<vmem>> -> memref<128xi32, #tpu.memory_space<vmem>>
      %dma_start3A_70 = arith.constant 0 : i32
      %dma_start3A_71 = arith.constant 0 : i32
      %dma_start3A_72 = tpu.memref_slice %arg2[%dma_start3A_70, %dma_start3A_71] : memref<2600000x16xf32, #tpu.memory_space<hbm>> -> memref<2600000x16xf32, #tpu.memory_space<hbm>>
      tpu.enqueue_indirect_dma source(%dma_start3A_72 : memref<2600000x16xf32, #tpu.memory_space<hbm>>) target(%dma_start3A_66 : memref<128x16xf32, #tpu.memory_space<vmem>>) offsets(%dma_start3A_69 : memref<128xi32, #tpu.memory_space<vmem>>) semaphore(%arg11 : memref<!tpu.dma_semaphore, #tpu.memory_space<semaphore_mem>>)
      %dma_start3A_73 = arith.constant 5 : i32
      %dma_start3A_74 = arith.constant 640 : i32
      %dma_start3A_75 = arith.constant 0 : i32
      %dma_start3A_76 = tpu.memref_slice %arg8[%dma_start3A_74, %dma_start3A_75] : memref<3328x16xf32, #tpu.memory_space<vmem>> -> memref<128x16xf32, #tpu.memory_space<vmem>>
      %dma_start3A_77 = arith.constant 0 : i32
      %dma_start3A_78 = tpu.memref_slice %arg7[%dma_start3A_73, %dma_start3A_77] : memref<26x128xi32, #tpu.memory_space<vmem>> -> memref<1x128xi32, #tpu.memory_space<vmem>>
      %dma_start3A_79 = tpu.memref_squeeze %dma_start3A_78 : memref<1x128xi32, #tpu.memory_space<vmem>> -> memref<128xi32, #tpu.memory_space<vmem>>
      %dma_start3A_80 = arith.constant 0 : i32
      %dma_start3A_81 = arith.constant 0 : i32
      %dma_start3A_82 = tpu.memref_slice %arg2[%dma_start3A_80, %dma_start3A_81] : memref<2600000x16xf32, #tpu.memory_space<hbm>> -> memref<2600000x16xf32, #tpu.memory_space<hbm>>
      tpu.enqueue_indirect_dma source(%dma_start3A_82 : memref<2600000x16xf32, #tpu.memory_space<hbm>>) target(%dma_start3A_76 : memref<128x16xf32, #tpu.memory_space<vmem>>) offsets(%dma_start3A_79 : memref<128xi32, #tpu.memory_space<vmem>>) semaphore(%arg11 : memref<!tpu.dma_semaphore, #tpu.memory_space<semaphore_mem>>)
      %dma_start3A_83 = arith.constant 6 : i32
      %dma_start3A_84 = arith.constant 768 : i32
      %dma_start3A_85 = arith.constant 0 : i32
      %dma_start3A_86 = tpu.memref_slice %arg8[%dma_start3A_84, %dma_start3A_85] : memref<3328x16xf32, #tpu.memory_space<vmem>> -> memref<128x16xf32, #tpu.memory_space<vmem>>
      %dma_start3A_87 = arith.constant 0 : i32
      %dma_start3A_88 = tpu.memref_slice %arg7[%dma_start3A_83, %dma_start3A_87] : memref<26x128xi32, #tpu.memory_space<vmem>> -> memref<1x128xi32, #tpu.memory_space<vmem>>
      %dma_start3A_89 = tpu.memref_squeeze %dma_start3A_88 : memref<1x128xi32, #tpu.memory_space<vmem>> -> memref<128xi32, #tpu.memory_space<vmem>>
      %dma_start3A_90 = arith.constant 0 : i32
      %dma_start3A_91 = arith.constant 0 : i32
      %dma_start3A_92 = tpu.memref_slice %arg2[%dma_start3A_90, %dma_start3A_91] : memref<2600000x16xf32, #tpu.memory_space<hbm>> -> memref<2600000x16xf32, #tpu.memory_space<hbm>>
      tpu.enqueue_indirect_dma source(%dma_start3A_92 : memref<2600000x16xf32, #tpu.memory_space<hbm>>) target(%dma_start3A_86 : memref<128x16xf32, #tpu.memory_space<vmem>>) offsets(%dma_start3A_89 : memref<128xi32, #tpu.memory_space<vmem>>) semaphore(%arg11 : memref<!tpu.dma_semaphore, #tpu.memory_space<semaphore_mem>>)
      %dma_start3A_93 = arith.constant 7 : i32
      %dma_start3A_94 = arith.constant 896 : i32
      %dma_start3A_95 = arith.constant 0 : i32
      %dma_start3A_96 = tpu.memref_slice %arg8[%dma_start3A_94, %dma_start3A_95] : memref<3328x16xf32, #tpu.memory_space<vmem>> -> memref<128x16xf32, #tpu.memory_space<vmem>>
      %dma_start3A_97 = arith.constant 0 : i32
      %dma_start3A_98 = tpu.memref_slice %arg7[%dma_start3A_93, %dma_start3A_97] : memref<26x128xi32, #tpu.memory_space<vmem>> -> memref<1x128xi32, #tpu.memory_space<vmem>>
      %dma_start3A_99 = tpu.memref_squeeze %dma_start3A_98 : memref<1x128xi32, #tpu.memory_space<vmem>> -> memref<128xi32, #tpu.memory_space<vmem>>
      %dma_start3A_100 = arith.constant 0 : i32
      %dma_start3A_101 = arith.constant 0 : i32
      %dma_start3A_102 = tpu.memref_slice %arg2[%dma_start3A_100, %dma_start3A_101] : memref<2600000x16xf32, #tpu.memory_space<hbm>> -> memref<2600000x16xf32, #tpu.memory_space<hbm>>
      tpu.enqueue_indirect_dma source(%dma_start3A_102 : memref<2600000x16xf32, #tpu.memory_space<hbm>>) target(%dma_start3A_96 : memref<128x16xf32, #tpu.memory_space<vmem>>) offsets(%dma_start3A_99 : memref<128xi32, #tpu.memory_space<vmem>>) semaphore(%arg11 : memref<!tpu.dma_semaphore, #tpu.memory_space<semaphore_mem>>)
      %dma_start3A_103 = arith.constant 8 : i32
      %dma_start3A_104 = arith.constant 1024 : i32
      %dma_start3A_105 = arith.constant 0 : i32
      %dma_start3A_106 = tpu.memref_slice %arg8[%dma_start3A_104, %dma_start3A_105] : memref<3328x16xf32, #tpu.memory_space<vmem>> -> memref<128x16xf32, #tpu.memory_space<vmem>>
      %dma_start3A_107 = arith.constant 0 : i32
      %dma_start3A_108 = tpu.memref_slice %arg7[%dma_start3A_103, %dma_start3A_107] : memref<26x128xi32, #tpu.memory_space<vmem>> -> memref<1x128xi32, #tpu.memory_space<vmem>>
      %dma_start3A_109 = tpu.memref_squeeze %dma_start3A_108 : memref<1x128xi32, #tpu.memory_space<vmem>> -> memref<128xi32, #tpu.memory_space<vmem>>
      %dma_start3A_110 = arith.constant 0 : i32
      %dma_start3A_111 = arith.constant 0 : i32
      %dma_start3A_112 = tpu.memref_slice %arg2[%dma_start3A_110, %dma_start3A_111] : memref<2600000x16xf32, #tpu.memory_space<hbm>> -> memref<2600000x16xf32, #tpu.memory_space<hbm>>
      tpu.enqueue_indirect_dma source(%dma_start3A_112 : memref<2600000x16xf32, #tpu.memory_space<hbm>>) target(%dma_start3A_106 : memref<128x16xf32, #tpu.memory_space<vmem>>) offsets(%dma_start3A_109 : memref<128xi32, #tpu.memory_space<vmem>>) semaphore(%arg11 : memref<!tpu.dma_semaphore, #tpu.memory_space<semaphore_mem>>)
      %dma_start3A_113 = arith.constant 9 : i32
      %dma_start3A_114 = arith.constant 1152 : i32
      %dma_start3A_115 = arith.constant 0 : i32
      %dma_start3A_116 = tpu.memref_slice %arg8[%dma_start3A_114, %dma_start3A_115] : memref<3328x16xf32, #tpu.memory_space<vmem>> -> memref<128x16xf32, #tpu.memory_space<vmem>>
      %dma_start3A_117 = arith.constant 0 : i32
      %dma_start3A_118 = tpu.memref_slice %arg7[%dma_start3A_113, %dma_start3A_117] : memref<26x128xi32, #tpu.memory_space<vmem>> -> memref<1x128xi32, #tpu.memory_space<vmem>>
      %dma_start3A_119 = tpu.memref_squeeze %dma_start3A_118 : memref<1x128xi32, #tpu.memory_space<vmem>> -> memref<128xi32, #tpu.memory_space<vmem>>
      %dma_start3A_120 = arith.constant 0 : i32
      %dma_start3A_121 = arith.constant 0 : i32
      %dma_start3A_122 = tpu.memref_slice %arg2[%dma_start3A_120, %dma_start3A_121] : memref<2600000x16xf32, #tpu.memory_space<hbm>> -> memref<2600000x16xf32, #tpu.memory_space<hbm>>
      tpu.enqueue_indirect_dma source(%dma_start3A_122 : memref<2600000x16xf32, #tpu.memory_space<hbm>>) target(%dma_start3A_116 : memref<128x16xf32, #tpu.memory_space<vmem>>) offsets(%dma_start3A_119 : memref<128xi32, #tpu.memory_space<vmem>>) semaphore(%arg11 : memref<!tpu.dma_semaphore, #tpu.memory_space<semaphore_mem>>)
      %dma_start3A_123 = arith.constant 10 : i32
      %dma_start3A_124 = arith.constant 1280 : i32
      %dma_start3A_125 = arith.constant 0 : i32
      %dma_start3A_126 = tpu.memref_slice %arg8[%dma_start3A_124, %dma_start3A_125] : memref<3328x16xf32, #tpu.memory_space<vmem>> -> memref<128x16xf32, #tpu.memory_space<vmem>>
      %dma_start3A_127 = arith.constant 0 : i32
      %dma_start3A_128 = tpu.memref_slice %arg7[%dma_start3A_123, %dma_start3A_127] : memref<26x128xi32, #tpu.memory_space<vmem>> -> memref<1x128xi32, #tpu.memory_space<vmem>>
      %dma_start3A_129 = tpu.memref_squeeze %dma_start3A_128 : memref<1x128xi32, #tpu.memory_space<vmem>> -> memref<128xi32, #tpu.memory_space<vmem>>
      %dma_start3A_130 = arith.constant 0 : i32
      %dma_start3A_131 = arith.constant 0 : i32
      %dma_start3A_132 = tpu.memref_slice %arg2[%dma_start3A_130, %dma_start3A_131] : memref<2600000x16xf32, #tpu.memory_space<hbm>> -> memref<2600000x16xf32, #tpu.memory_space<hbm>>
      tpu.enqueue_indirect_dma source(%dma_start3A_132 : memref<2600000x16xf32, #tpu.memory_space<hbm>>) target(%dma_start3A_126 : memref<128x16xf32, #tpu.memory_space<vmem>>) offsets(%dma_start3A_129 : memref<128xi32, #tpu.memory_space<vmem>>) semaphore(%arg11 : memref<!tpu.dma_semaphore, #tpu.memory_space<semaphore_mem>>)
      %dma_start3A_133 = arith.constant 11 : i32
      %dma_start3A_134 = arith.constant 1408 : i32
      %dma_start3A_135 = arith.constant 0 : i32
      %dma_start3A_136 = tpu.memref_slice %arg8[%dma_start3A_134, %dma_start3A_135] : memref<3328x16xf32, #tpu.memory_space<vmem>> -> memref<128x16xf32, #tpu.memory_space<vmem>>
      %dma_start3A_137 = arith.constant 0 : i32
      %dma_start3A_138 = tpu.memref_slice %arg7[%dma_start3A_133, %dma_start3A_137] : memref<26x128xi32, #tpu.memory_space<vmem>> -> memref<1x128xi32, #tpu.memory_space<vmem>>
      %dma_start3A_139 = tpu.memref_squeeze %dma_start3A_138 : memref<1x128xi32, #tpu.memory_space<vmem>> -> memref<128xi32, #tpu.memory_space<vmem>>
      %dma_start3A_140 = arith.constant 0 : i32
      %dma_start3A_141 = arith.constant 0 : i32
      %dma_start3A_142 = tpu.memref_slice %arg2[%dma_start3A_140, %dma_start3A_141] : memref<2600000x16xf32, #tpu.memory_space<hbm>> -> memref<2600000x16xf32, #tpu.memory_space<hbm>>
      tpu.enqueue_indirect_dma source(%dma_start3A_142 : memref<2600000x16xf32, #tpu.memory_space<hbm>>) target(%dma_start3A_136 : memref<128x16xf32, #tpu.memory_space<vmem>>) offsets(%dma_start3A_139 : memref<128xi32, #tpu.memory_space<vmem>>) semaphore(%arg11 : memref<!tpu.dma_semaphore, #tpu.memory_space<semaphore_mem>>)
      %dma_start3A_143 = arith.constant 12 : i32
      %dma_start3A_144 = arith.constant 1536 : i32
      %dma_start3A_145 = arith.constant 0 : i32
      %dma_start3A_146 = tpu.memref_slice %arg8[%dma_start3A_144, %dma_start3A_145] : memref<3328x16xf32, #tpu.memory_space<vmem>> -> memref<128x16xf32, #tpu.memory_space<vmem>>
      %dma_start3A_147 = arith.constant 0 : i32
      %dma_start3A_148 = tpu.memref_slice %arg7[%dma_start3A_143, %dma_start3A_147] : memref<26x128xi32, #tpu.memory_space<vmem>> -> memref<1x128xi32, #tpu.memory_space<vmem>>
      %dma_start3A_149 = tpu.memref_squeeze %dma_start3A_148 : memref<1x128xi32, #tpu.memory_space<vmem>> -> memref<128xi32, #tpu.memory_space<vmem>>
      %dma_start3A_150 = arith.constant 0 : i32
      %dma_start3A_151 = arith.constant 0 : i32
      %dma_start3A_152 = tpu.memref_slice %arg2[%dma_start3A_150, %dma_start3A_151] : memref<2600000x16xf32, #tpu.memory_space<hbm>> -> memref<2600000x16xf32, #tpu.memory_space<hbm>>
      tpu.enqueue_indirect_dma source(%dma_start3A_152 : memref<2600000x16xf32, #tpu.memory_space<hbm>>) target(%dma_start3A_146 : memref<128x16xf32, #tpu.memory_space<vmem>>) offsets(%dma_start3A_149 : memref<128xi32, #tpu.memory_space<vmem>>) semaphore(%arg11 : memref<!tpu.dma_semaphore, #tpu.memory_space<semaphore_mem>>)
      %dma_start3A_153 = arith.constant 13 : i32
      %dma_start3A_154 = arith.constant 1664 : i32
      %dma_start3A_155 = arith.constant 0 : i32
      %dma_start3A_156 = tpu.memref_slice %arg8[%dma_start3A_154, %dma_start3A_155] : memref<3328x16xf32, #tpu.memory_space<vmem>> -> memref<128x16xf32, #tpu.memory_space<vmem>>
      %dma_start3A_157 = arith.constant 0 : i32
      %dma_start3A_158 = tpu.memref_slice %arg7[%dma_start3A_153, %dma_start3A_157] : memref<26x128xi32, #tpu.memory_space<vmem>> -> memref<1x128xi32, #tpu.memory_space<vmem>>
      %dma_start3A_159 = tpu.memref_squeeze %dma_start3A_158 : memref<1x128xi32, #tpu.memory_space<vmem>> -> memref<128xi32, #tpu.memory_space<vmem>>
      %dma_start3A_160 = arith.constant 0 : i32
      %dma_start3A_161 = arith.constant 0 : i32
      %dma_start3A_162 = tpu.memref_slice %arg2[%dma_start3A_160, %dma_start3A_161] : memref<2600000x16xf32, #tpu.memory_space<hbm>> -> memref<2600000x16xf32, #tpu.memory_space<hbm>>
      tpu.enqueue_indirect_dma source(%dma_start3A_162 : memref<2600000x16xf32, #tpu.memory_space<hbm>>) target(%dma_start3A_156 : memref<128x16xf32, #tpu.memory_space<vmem>>) offsets(%dma_start3A_159 : memref<128xi32, #tpu.memory_space<vmem>>) semaphore(%arg11 : memref<!tpu.dma_semaphore, #tpu.memory_space<semaphore_mem>>)
      %dma_start3A_163 = arith.constant 14 : i32
      %dma_start3A_164 = arith.constant 1792 : i32
      %dma_start3A_165 = arith.constant 0 : i32
      %dma_start3A_166 = tpu.memref_slice %arg8[%dma_start3A_164, %dma_start3A_165] : memref<3328x16xf32, #tpu.memory_space<vmem>> -> memref<128x16xf32, #tpu.memory_space<vmem>>
      %dma_start3A_167 = arith.constant 0 : i32
      %dma_start3A_168 = tpu.memref_slice %arg7[%dma_start3A_163, %dma_start3A_167] : memref<26x128xi32, #tpu.memory_space<vmem>> -> memref<1x128xi32, #tpu.memory_space<vmem>>
      %dma_start3A_169 = tpu.memref_squeeze %dma_start3A_168 : memref<1x128xi32, #tpu.memory_space<vmem>> -> memref<128xi32, #tpu.memory_space<vmem>>
      %dma_start3A_170 = arith.constant 0 : i32
      %dma_start3A_171 = arith.constant 0 : i32
      %dma_start3A_172 = tpu.memref_slice %arg2[%dma_start3A_170, %dma_start3A_171] : memref<2600000x16xf32, #tpu.memory_space<hbm>> -> memref<2600000x16xf32, #tpu.memory_space<hbm>>
      tpu.enqueue_indirect_dma source(%dma_start3A_172 : memref<2600000x16xf32, #tpu.memory_space<hbm>>) target(%dma_start3A_166 : memref<128x16xf32, #tpu.memory_space<vmem>>) offsets(%dma_start3A_169 : memref<128xi32, #tpu.memory_space<vmem>>) semaphore(%arg11 : memref<!tpu.dma_semaphore, #tpu.memory_space<semaphore_mem>>)
      %dma_start3A_173 = arith.constant 15 : i32
      %dma_start3A_174 = arith.constant 1920 : i32
      %dma_start3A_175 = arith.constant 0 : i32
      %dma_start3A_176 = tpu.memref_slice %arg8[%dma_start3A_174, %dma_start3A_175] : memref<3328x16xf32, #tpu.memory_space<vmem>> -> memref<128x16xf32, #tpu.memory_space<vmem>>
      %dma_start3A_177 = arith.constant 0 : i32
      %dma_start3A_178 = tpu.memref_slice %arg7[%dma_start3A_173, %dma_start3A_177] : memref<26x128xi32, #tpu.memory_space<vmem>> -> memref<1x128xi32, #tpu.memory_space<vmem>>
      %dma_start3A_179 = tpu.memref_squeeze %dma_start3A_178 : memref<1x128xi32, #tpu.memory_space<vmem>> -> memref<128xi32, #tpu.memory_space<vmem>>
      %dma_start3A_180 = arith.constant 0 : i32
      %dma_start3A_181 = arith.constant 0 : i32
      %dma_start3A_182 = tpu.memref_slice %arg2[%dma_start3A_180, %dma_start3A_181] : memref<2600000x16xf32, #tpu.memory_space<hbm>> -> memref<2600000x16xf32, #tpu.memory_space<hbm>>
      tpu.enqueue_indirect_dma source(%dma_start3A_182 : memref<2600000x16xf32, #tpu.memory_space<hbm>>) target(%dma_start3A_176 : memref<128x16xf32, #tpu.memory_space<vmem>>) offsets(%dma_start3A_179 : memref<128xi32, #tpu.memory_space<vmem>>) semaphore(%arg11 : memref<!tpu.dma_semaphore, #tpu.memory_space<semaphore_mem>>)
      %dma_start3A_183 = arith.constant 16 : i32
      %dma_start3A_184 = arith.constant 2048 : i32
      %dma_start3A_185 = arith.constant 0 : i32
      %dma_start3A_186 = tpu.memref_slice %arg8[%dma_start3A_184, %dma_start3A_185] : memref<3328x16xf32, #tpu.memory_space<vmem>> -> memref<128x16xf32, #tpu.memory_space<vmem>>
      %dma_start3A_187 = arith.constant 0 : i32
      %dma_start3A_188 = tpu.memref_slice %arg7[%dma_start3A_183, %dma_start3A_187] : memref<26x128xi32, #tpu.memory_space<vmem>> -> memref<1x128xi32, #tpu.memory_space<vmem>>
      %dma_start3A_189 = tpu.memref_squeeze %dma_start3A_188 : memref<1x128xi32, #tpu.memory_space<vmem>> -> memref<128xi32, #tpu.memory_space<vmem>>
      %dma_start3A_190 = arith.constant 0 : i32
      %dma_start3A_191 = arith.constant 0 : i32
      %dma_start3A_192 = tpu.memref_slice %arg2[%dma_start3A_190, %dma_start3A_191] : memref<2600000x16xf32, #tpu.memory_space<hbm>> -> memref<2600000x16xf32, #tpu.memory_space<hbm>>
      tpu.enqueue_indirect_dma source(%dma_start3A_192 : memref<2600000x16xf32, #tpu.memory_space<hbm>>) target(%dma_start3A_186 : memref<128x16xf32, #tpu.memory_space<vmem>>) offsets(%dma_start3A_189 : memref<128xi32, #tpu.memory_space<vmem>>) semaphore(%arg11 : memref<!tpu.dma_semaphore, #tpu.memory_space<semaphore_mem>>)
      %dma_start3A_193 = arith.constant 17 : i32
      %dma_start3A_194 = arith.constant 2176 : i32
      %dma_start3A_195 = arith.constant 0 : i32
      %dma_start3A_196 = tpu.memref_slice %arg8[%dma_start3A_194, %dma_start3A_195] : memref<3328x16xf32, #tpu.memory_space<vmem>> -> memref<128x16xf32, #tpu.memory_space<vmem>>
      %dma_start3A_197 = arith.constant 0 : i32
      %dma_start3A_198 = tpu.memref_slice %arg7[%dma_start3A_193, %dma_start3A_197] : memref<26x128xi32, #tpu.memory_space<vmem>> -> memref<1x128xi32, #tpu.memory_space<vmem>>
      %dma_start3A_199 = tpu.memref_squeeze %dma_start3A_198 : memref<1x128xi32, #tpu.memory_space<vmem>> -> memref<128xi32, #tpu.memory_space<vmem>>
      %dma_start3A_200 = arith.constant 0 : i32
      %dma_start3A_201 = arith.constant 0 : i32
      %dma_start3A_202 = tpu.memref_slice %arg2[%dma_start3A_200, %dma_start3A_201] : memref<2600000x16xf32, #tpu.memory_space<hbm>> -> memref<2600000x16xf32, #tpu.memory_space<hbm>>
      tpu.enqueue_indirect_dma source(%dma_start3A_202 : memref<2600000x16xf32, #tpu.memory_space<hbm>>) target(%dma_start3A_196 : memref<128x16xf32, #tpu.memory_space<vmem>>) offsets(%dma_start3A_199 : memref<128xi32, #tpu.memory_space<vmem>>) semaphore(%arg11 : memref<!tpu.dma_semaphore, #tpu.memory_space<semaphore_mem>>)
      %dma_start3A_203 = arith.constant 18 : i32
      %dma_start3A_204 = arith.constant 2304 : i32
      %dma_start3A_205 = arith.constant 0 : i32
      %dma_start3A_206 = tpu.memref_slice %arg8[%dma_start3A_204, %dma_start3A_205] : memref<3328x16xf32, #tpu.memory_space<vmem>> -> memref<128x16xf32, #tpu.memory_space<vmem>>
      %dma_start3A_207 = arith.constant 0 : i32
      %dma_start3A_208 = tpu.memref_slice %arg7[%dma_start3A_203, %dma_start3A_207] : memref<26x128xi32, #tpu.memory_space<vmem>> -> memref<1x128xi32, #tpu.memory_space<vmem>>
      %dma_start3A_209 = tpu.memref_squeeze %dma_start3A_208 : memref<1x128xi32, #tpu.memory_space<vmem>> -> memref<128xi32, #tpu.memory_space<vmem>>
      %dma_start3A_210 = arith.constant 0 : i32
      %dma_start3A_211 = arith.constant 0 : i32
      %dma_start3A_212 = tpu.memref_slice %arg2[%dma_start3A_210, %dma_start3A_211] : memref<2600000x16xf32, #tpu.memory_space<hbm>> -> memref<2600000x16xf32, #tpu.memory_space<hbm>>
      tpu.enqueue_indirect_dma source(%dma_start3A_212 : memref<2600000x16xf32, #tpu.memory_space<hbm>>) target(%dma_start3A_206 : memref<128x16xf32, #tpu.memory_space<vmem>>) offsets(%dma_start3A_209 : memref<128xi32, #tpu.memory_space<vmem>>) semaphore(%arg11 : memref<!tpu.dma_semaphore, #tpu.memory_space<semaphore_mem>>)
      %dma_start3A_213 = arith.constant 19 : i32
      %dma_start3A_214 = arith.constant 2432 : i32
      %dma_start3A_215 = arith.constant 0 : i32
      %dma_start3A_216 = tpu.memref_slice %arg8[%dma_start3A_214, %dma_start3A_215] : memref<3328x16xf32, #tpu.memory_space<vmem>> -> memref<128x16xf32, #tpu.memory_space<vmem>>
      %dma_start3A_217 = arith.constant 0 : i32
      %dma_start3A_218 = tpu.memref_slice %arg7[%dma_start3A_213, %dma_start3A_217] : memref<26x128xi32, #tpu.memory_space<vmem>> -> memref<1x128xi32, #tpu.memory_space<vmem>>
      %dma_start3A_219 = tpu.memref_squeeze %dma_start3A_218 : memref<1x128xi32, #tpu.memory_space<vmem>> -> memref<128xi32, #tpu.memory_space<vmem>>
      %dma_start3A_220 = arith.constant 0 : i32
      %dma_start3A_221 = arith.constant 0 : i32
      %dma_start3A_222 = tpu.memref_slice %arg2[%dma_start3A_220, %dma_start3A_221] : memref<2600000x16xf32, #tpu.memory_space<hbm>> -> memref<2600000x16xf32, #tpu.memory_space<hbm>>
      tpu.enqueue_indirect_dma source(%dma_start3A_222 : memref<2600000x16xf32, #tpu.memory_space<hbm>>) target(%dma_start3A_216 : memref<128x16xf32, #tpu.memory_space<vmem>>) offsets(%dma_start3A_219 : memref<128xi32, #tpu.memory_space<vmem>>) semaphore(%arg11 : memref<!tpu.dma_semaphore, #tpu.memory_space<semaphore_mem>>)
      %dma_start3A_223 = arith.constant 20 : i32
      %dma_start3A_224 = arith.constant 2560 : i32
      %dma_start3A_225 = arith.constant 0 : i32
      %dma_start3A_226 = tpu.memref_slice %arg8[%dma_start3A_224, %dma_start3A_225] : memref<3328x16xf32, #tpu.memory_space<vmem>> -> memref<128x16xf32, #tpu.memory_space<vmem>>
      %dma_start3A_227 = arith.constant 0 : i32
      %dma_start3A_228 = tpu.memref_slice %arg7[%dma_start3A_223, %dma_start3A_227] : memref<26x128xi32, #tpu.memory_space<vmem>> -> memref<1x128xi32, #tpu.memory_space<vmem>>
      %dma_start3A_229 = tpu.memref_squeeze %dma_start3A_228 : memref<1x128xi32, #tpu.memory_space<vmem>> -> memref<128xi32, #tpu.memory_space<vmem>>
      %dma_start3A_230 = arith.constant 0 : i32
      %dma_start3A_231 = arith.constant 0 : i32
      %dma_start3A_232 = tpu.memref_slice %arg2[%dma_start3A_230, %dma_start3A_231] : memref<2600000x16xf32, #tpu.memory_space<hbm>> -> memref<2600000x16xf32, #tpu.memory_space<hbm>>
      tpu.enqueue_indirect_dma source(%dma_start3A_232 : memref<2600000x16xf32, #tpu.memory_space<hbm>>) target(%dma_start3A_226 : memref<128x16xf32, #tpu.memory_space<vmem>>) offsets(%dma_start3A_229 : memref<128xi32, #tpu.memory_space<vmem>>) semaphore(%arg11 : memref<!tpu.dma_semaphore, #tpu.memory_space<semaphore_mem>>)
      %dma_start3A_233 = arith.constant 21 : i32
      %dma_start3A_234 = arith.constant 2688 : i32
      %dma_start3A_235 = arith.constant 0 : i32
      %dma_start3A_236 = tpu.memref_slice %arg8[%dma_start3A_234, %dma_start3A_235] : memref<3328x16xf32, #tpu.memory_space<vmem>> -> memref<128x16xf32, #tpu.memory_space<vmem>>
      %dma_start3A_237 = arith.constant 0 : i32
      %dma_start3A_238 = tpu.memref_slice %arg7[%dma_start3A_233, %dma_start3A_237] : memref<26x128xi32, #tpu.memory_space<vmem>> -> memref<1x128xi32, #tpu.memory_space<vmem>>
      %dma_start3A_239 = tpu.memref_squeeze %dma_start3A_238 : memref<1x128xi32, #tpu.memory_space<vmem>> -> memref<128xi32, #tpu.memory_space<vmem>>
      %dma_start3A_240 = arith.constant 0 : i32
      %dma_start3A_241 = arith.constant 0 : i32
      %dma_start3A_242 = tpu.memref_slice %arg2[%dma_start3A_240, %dma_start3A_241] : memref<2600000x16xf32, #tpu.memory_space<hbm>> -> memref<2600000x16xf32, #tpu.memory_space<hbm>>
      tpu.enqueue_indirect_dma source(%dma_start3A_242 : memref<2600000x16xf32, #tpu.memory_space<hbm>>) target(%dma_start3A_236 : memref<128x16xf32, #tpu.memory_space<vmem>>) offsets(%dma_start3A_239 : memref<128xi32, #tpu.memory_space<vmem>>) semaphore(%arg11 : memref<!tpu.dma_semaphore, #tpu.memory_space<semaphore_mem>>)
      %dma_start3A_243 = arith.constant 22 : i32
      %dma_start3A_244 = arith.constant 2816 : i32
      %dma_start3A_245 = arith.constant 0 : i32
      %dma_start3A_246 = tpu.memref_slice %arg8[%dma_start3A_244, %dma_start3A_245] : memref<3328x16xf32, #tpu.memory_space<vmem>> -> memref<128x16xf32, #tpu.memory_space<vmem>>
      %dma_start3A_247 = arith.constant 0 : i32
      %dma_start3A_248 = tpu.memref_slice %arg7[%dma_start3A_243, %dma_start3A_247] : memref<26x128xi32, #tpu.memory_space<vmem>> -> memref<1x128xi32, #tpu.memory_space<vmem>>
      %dma_start3A_249 = tpu.memref_squeeze %dma_start3A_248 : memref<1x128xi32, #tpu.memory_space<vmem>> -> memref<128xi32, #tpu.memory_space<vmem>>
      %dma_start3A_250 = arith.constant 0 : i32
      %dma_start3A_251 = arith.constant 0 : i32
      %dma_start3A_252 = tpu.memref_slice %arg2[%dma_start3A_250, %dma_start3A_251] : memref<2600000x16xf32, #tpu.memory_space<hbm>> -> memref<2600000x16xf32, #tpu.memory_space<hbm>>
      tpu.enqueue_indirect_dma source(%dma_start3A_252 : memref<2600000x16xf32, #tpu.memory_space<hbm>>) target(%dma_start3A_246 : memref<128x16xf32, #tpu.memory_space<vmem>>) offsets(%dma_start3A_249 : memref<128xi32, #tpu.memory_space<vmem>>) semaphore(%arg11 : memref<!tpu.dma_semaphore, #tpu.memory_space<semaphore_mem>>)
      %dma_start3A_253 = arith.constant 23 : i32
      %dma_start3A_254 = arith.constant 2944 : i32
      %dma_start3A_255 = arith.constant 0 : i32
      %dma_start3A_256 = tpu.memref_slice %arg8[%dma_start3A_254, %dma_start3A_255] : memref<3328x16xf32, #tpu.memory_space<vmem>> -> memref<128x16xf32, #tpu.memory_space<vmem>>
      %dma_start3A_257 = arith.constant 0 : i32
      %dma_start3A_258 = tpu.memref_slice %arg7[%dma_start3A_253, %dma_start3A_257] : memref<26x128xi32, #tpu.memory_space<vmem>> -> memref<1x128xi32, #tpu.memory_space<vmem>>
      %dma_start3A_259 = tpu.memref_squeeze %dma_start3A_258 : memref<1x128xi32, #tpu.memory_space<vmem>> -> memref<128xi32, #tpu.memory_space<vmem>>
      %dma_start3A_260 = arith.constant 0 : i32
      %dma_start3A_261 = arith.constant 0 : i32
      %dma_start3A_262 = tpu.memref_slice %arg2[%dma_start3A_260, %dma_start3A_261] : memref<2600000x16xf32, #tpu.memory_space<hbm>> -> memref<2600000x16xf32, #tpu.memory_space<hbm>>
      tpu.enqueue_indirect_dma source(%dma_start3A_262 : memref<2600000x16xf32, #tpu.memory_space<hbm>>) target(%dma_start3A_256 : memref<128x16xf32, #tpu.memory_space<vmem>>) offsets(%dma_start3A_259 : memref<128xi32, #tpu.memory_space<vmem>>) semaphore(%arg11 : memref<!tpu.dma_semaphore, #tpu.memory_space<semaphore_mem>>)
      %dma_start3A_263 = arith.constant 24 : i32
      %dma_start3A_264 = arith.constant 3072 : i32
      %dma_start3A_265 = arith.constant 0 : i32
      %dma_start3A_266 = tpu.memref_slice %arg8[%dma_start3A_264, %dma_start3A_265] : memref<3328x16xf32, #tpu.memory_space<vmem>> -> memref<128x16xf32, #tpu.memory_space<vmem>>
      %dma_start3A_267 = arith.constant 0 : i32
      %dma_start3A_268 = tpu.memref_slice %arg7[%dma_start3A_263, %dma_start3A_267] : memref<26x128xi32, #tpu.memory_space<vmem>> -> memref<1x128xi32, #tpu.memory_space<vmem>>
      %dma_start3A_269 = tpu.memref_squeeze %dma_start3A_268 : memref<1x128xi32, #tpu.memory_space<vmem>> -> memref<128xi32, #tpu.memory_space<vmem>>
      %dma_start3A_270 = arith.constant 0 : i32
      %dma_start3A_271 = arith.constant 0 : i32
      %dma_start3A_272 = tpu.memref_slice %arg2[%dma_start3A_270, %dma_start3A_271] : memref<2600000x16xf32, #tpu.memory_space<hbm>> -> memref<2600000x16xf32, #tpu.memory_space<hbm>>
      tpu.enqueue_indirect_dma source(%dma_start3A_272 : memref<2600000x16xf32, #tpu.memory_space<hbm>>) target(%dma_start3A_266 : memref<128x16xf32, #tpu.memory_space<vmem>>) offsets(%dma_start3A_269 : memref<128xi32, #tpu.memory_space<vmem>>) semaphore(%arg11 : memref<!tpu.dma_semaphore, #tpu.memory_space<semaphore_mem>>)
      %dma_start3A_273 = arith.constant 25 : i32
      %dma_start3A_274 = arith.constant 3200 : i32
      %dma_start3A_275 = arith.constant 0 : i32
      %dma_start3A_276 = tpu.memref_slice %arg8[%dma_start3A_274, %dma_start3A_275] : memref<3328x16xf32, #tpu.memory_space<vmem>> -> memref<128x16xf32, #tpu.memory_space<vmem>>
      %dma_start3A_277 = arith.constant 0 : i32
      %dma_start3A_278 = tpu.memref_slice %arg7[%dma_start3A_273, %dma_start3A_277] : memref<26x128xi32, #tpu.memory_space<vmem>> -> memref<1x128xi32, #tpu.memory_space<vmem>>
      %dma_start3A_279 = tpu.memref_squeeze %dma_start3A_278 : memref<1x128xi32, #tpu.memory_space<vmem>> -> memref<128xi32, #tpu.memory_space<vmem>>
      %dma_start3A_280 = arith.constant 0 : i32
      %dma_start3A_281 = arith.constant 0 : i32
      %dma_start3A_282 = tpu.memref_slice %arg2[%dma_start3A_280, %dma_start3A_281] : memref<2600000x16xf32, #tpu.memory_space<hbm>> -> memref<2600000x16xf32, #tpu.memory_space<hbm>>
      tpu.enqueue_indirect_dma source(%dma_start3A_282 : memref<2600000x16xf32, #tpu.memory_space<hbm>>) target(%dma_start3A_276 : memref<128x16xf32, #tpu.memory_space<vmem>>) offsets(%dma_start3A_279 : memref<128xi32, #tpu.memory_space<vmem>>) semaphore(%arg11 : memref<!tpu.dma_semaphore, #tpu.memory_space<semaphore_mem>>)
      %dma_wait3A = arith.constant 0 : i32
      %dma_wait3A_283 = arith.constant 0 : i32
      %dma_wait3A_284 = arith.constant 0 : i32
      %dma_wait3A_285 = tpu.memref_slice %arg8[%dma_wait3A_283, %dma_wait3A_284] : memref<3328x16xf32, #tpu.memory_space<vmem>> -> memref<128x16xf32, #tpu.memory_space<vmem>>
      %dma_wait3A_286 = arith.constant 0 : i32
      %dma_wait3A_287 = tpu.memref_slice %arg7[%dma_wait3A, %dma_wait3A_286] : memref<26x128xi32, #tpu.memory_space<vmem>> -> memref<1x128xi32, #tpu.memory_space<vmem>>
      %dma_wait3A_288 = tpu.memref_squeeze %dma_wait3A_287 : memref<1x128xi32, #tpu.memory_space<vmem>> -> memref<128xi32, #tpu.memory_space<vmem>>
      %dma_wait3A_289 = arith.constant 0 : i32
      %dma_wait3A_290 = arith.constant 0 : i32
      %dma_wait3A_291 = tpu.memref_slice %arg2[%dma_wait3A_289, %dma_wait3A_290] : memref<2600000x16xf32, #tpu.memory_space<hbm>> -> memref<2600000x16xf32, #tpu.memory_space<hbm>>
      tpu.wait_indirect_dma semaphore(%arg11 : memref<!tpu.dma_semaphore, #tpu.memory_space<semaphore_mem>>) src(%dma_wait3A_291 : memref<2600000x16xf32, #tpu.memory_space<hbm>>) dst(%dma_wait3A_285 : memref<128x16xf32, #tpu.memory_space<vmem>>)
      %dma_wait3A_292 = arith.constant 1 : i32
      %dma_wait3A_293 = arith.constant 128 : i32
      %dma_wait3A_294 = arith.constant 0 : i32
      %dma_wait3A_295 = tpu.memref_slice %arg8[%dma_wait3A_293, %dma_wait3A_294] : memref<3328x16xf32, #tpu.memory_space<vmem>> -> memref<128x16xf32, #tpu.memory_space<vmem>>
      %dma_wait3A_296 = arith.constant 0 : i32
      %dma_wait3A_297 = tpu.memref_slice %arg7[%dma_wait3A_292, %dma_wait3A_296] : memref<26x128xi32, #tpu.memory_space<vmem>> -> memref<1x128xi32, #tpu.memory_space<vmem>>
      %dma_wait3A_298 = tpu.memref_squeeze %dma_wait3A_297 : memref<1x128xi32, #tpu.memory_space<vmem>> -> memref<128xi32, #tpu.memory_space<vmem>>
      %dma_wait3A_299 = arith.constant 0 : i32
      %dma_wait3A_300 = arith.constant 0 : i32
      %dma_wait3A_301 = tpu.memref_slice %arg2[%dma_wait3A_299, %dma_wait3A_300] : memref<2600000x16xf32, #tpu.memory_space<hbm>> -> memref<2600000x16xf32, #tpu.memory_space<hbm>>
      tpu.wait_indirect_dma semaphore(%arg11 : memref<!tpu.dma_semaphore, #tpu.memory_space<semaphore_mem>>) src(%dma_wait3A_301 : memref<2600000x16xf32, #tpu.memory_space<hbm>>) dst(%dma_wait3A_295 : memref<128x16xf32, #tpu.memory_space<vmem>>)
      %dma_wait3A_302 = arith.constant 2 : i32
      %dma_wait3A_303 = arith.constant 256 : i32
      %dma_wait3A_304 = arith.constant 0 : i32
      %dma_wait3A_305 = tpu.memref_slice %arg8[%dma_wait3A_303, %dma_wait3A_304] : memref<3328x16xf32, #tpu.memory_space<vmem>> -> memref<128x16xf32, #tpu.memory_space<vmem>>
      %dma_wait3A_306 = arith.constant 0 : i32
      %dma_wait3A_307 = tpu.memref_slice %arg7[%dma_wait3A_302, %dma_wait3A_306] : memref<26x128xi32, #tpu.memory_space<vmem>> -> memref<1x128xi32, #tpu.memory_space<vmem>>
      %dma_wait3A_308 = tpu.memref_squeeze %dma_wait3A_307 : memref<1x128xi32, #tpu.memory_space<vmem>> -> memref<128xi32, #tpu.memory_space<vmem>>
      %dma_wait3A_309 = arith.constant 0 : i32
      %dma_wait3A_310 = arith.constant 0 : i32
      %dma_wait3A_311 = tpu.memref_slice %arg2[%dma_wait3A_309, %dma_wait3A_310] : memref<2600000x16xf32, #tpu.memory_space<hbm>> -> memref<2600000x16xf32, #tpu.memory_space<hbm>>
      tpu.wait_indirect_dma semaphore(%arg11 : memref<!tpu.dma_semaphore, #tpu.memory_space<semaphore_mem>>) src(%dma_wait3A_311 : memref<2600000x16xf32, #tpu.memory_space<hbm>>) dst(%dma_wait3A_305 : memref<128x16xf32, #tpu.memory_space<vmem>>)
      %dma_wait3A_312 = arith.constant 3 : i32
      %dma_wait3A_313 = arith.constant 384 : i32
      %dma_wait3A_314 = arith.constant 0 : i32
      %dma_wait3A_315 = tpu.memref_slice %arg8[%dma_wait3A_313, %dma_wait3A_314] : memref<3328x16xf32, #tpu.memory_space<vmem>> -> memref<128x16xf32, #tpu.memory_space<vmem>>
      %dma_wait3A_316 = arith.constant 0 : i32
      %dma_wait3A_317 = tpu.memref_slice %arg7[%dma_wait3A_312, %dma_wait3A_316] : memref<26x128xi32, #tpu.memory_space<vmem>> -> memref<1x128xi32, #tpu.memory_space<vmem>>
      %dma_wait3A_318 = tpu.memref_squeeze %dma_wait3A_317 : memref<1x128xi32, #tpu.memory_space<vmem>> -> memref<128xi32, #tpu.memory_space<vmem>>
      %dma_wait3A_319 = arith.constant 0 : i32
      %dma_wait3A_320 = arith.constant 0 : i32
      %dma_wait3A_321 = tpu.memref_slice %arg2[%dma_wait3A_319, %dma_wait3A_320] : memref<2600000x16xf32, #tpu.memory_space<hbm>> -> memref<2600000x16xf32, #tpu.memory_space<hbm>>
      tpu.wait_indirect_dma semaphore(%arg11 : memref<!tpu.dma_semaphore, #tpu.memory_space<semaphore_mem>>) src(%dma_wait3A_321 : memref<2600000x16xf32, #tpu.memory_space<hbm>>) dst(%dma_wait3A_315 : memref<128x16xf32, #tpu.memory_space<vmem>>)
      %dma_wait3A_322 = arith.constant 4 : i32
      %dma_wait3A_323 = arith.constant 512 : i32
      %dma_wait3A_324 = arith.constant 0 : i32
      %dma_wait3A_325 = tpu.memref_slice %arg8[%dma_wait3A_323, %dma_wait3A_324] : memref<3328x16xf32, #tpu.memory_space<vmem>> -> memref<128x16xf32, #tpu.memory_space<vmem>>
      %dma_wait3A_326 = arith.constant 0 : i32
      %dma_wait3A_327 = tpu.memref_slice %arg7[%dma_wait3A_322, %dma_wait3A_326] : memref<26x128xi32, #tpu.memory_space<vmem>> -> memref<1x128xi32, #tpu.memory_space<vmem>>
      %dma_wait3A_328 = tpu.memref_squeeze %dma_wait3A_327 : memref<1x128xi32, #tpu.memory_space<vmem>> -> memref<128xi32, #tpu.memory_space<vmem>>
      %dma_wait3A_329 = arith.constant 0 : i32
      %dma_wait3A_330 = arith.constant 0 : i32
      %dma_wait3A_331 = tpu.memref_slice %arg2[%dma_wait3A_329, %dma_wait3A_330] : memref<2600000x16xf32, #tpu.memory_space<hbm>> -> memref<2600000x16xf32, #tpu.memory_space<hbm>>
      tpu.wait_indirect_dma semaphore(%arg11 : memref<!tpu.dma_semaphore, #tpu.memory_space<semaphore_mem>>) src(%dma_wait3A_331 : memref<2600000x16xf32, #tpu.memory_space<hbm>>) dst(%dma_wait3A_325 : memref<128x16xf32, #tpu.memory_space<vmem>>)
      %dma_wait3A_332 = arith.constant 5 : i32
      %dma_wait3A_333 = arith.constant 640 : i32
      %dma_wait3A_334 = arith.constant 0 : i32
      %dma_wait3A_335 = tpu.memref_slice %arg8[%dma_wait3A_333, %dma_wait3A_334] : memref<3328x16xf32, #tpu.memory_space<vmem>> -> memref<128x16xf32, #tpu.memory_space<vmem>>
      %dma_wait3A_336 = arith.constant 0 : i32
      %dma_wait3A_337 = tpu.memref_slice %arg7[%dma_wait3A_332, %dma_wait3A_336] : memref<26x128xi32, #tpu.memory_space<vmem>> -> memref<1x128xi32, #tpu.memory_space<vmem>>
      %dma_wait3A_338 = tpu.memref_squeeze %dma_wait3A_337 : memref<1x128xi32, #tpu.memory_space<vmem>> -> memref<128xi32, #tpu.memory_space<vmem>>
      %dma_wait3A_339 = arith.constant 0 : i32
      %dma_wait3A_340 = arith.constant 0 : i32
      %dma_wait3A_341 = tpu.memref_slice %arg2[%dma_wait3A_339, %dma_wait3A_340] : memref<2600000x16xf32, #tpu.memory_space<hbm>> -> memref<2600000x16xf32, #tpu.memory_space<hbm>>
      tpu.wait_indirect_dma semaphore(%arg11 : memref<!tpu.dma_semaphore, #tpu.memory_space<semaphore_mem>>) src(%dma_wait3A_341 : memref<2600000x16xf32, #tpu.memory_space<hbm>>) dst(%dma_wait3A_335 : memref<128x16xf32, #tpu.memory_space<vmem>>)
      %dma_wait3A_342 = arith.constant 6 : i32
      %dma_wait3A_343 = arith.constant 768 : i32
      %dma_wait3A_344 = arith.constant 0 : i32
      %dma_wait3A_345 = tpu.memref_slice %arg8[%dma_wait3A_343, %dma_wait3A_344] : memref<3328x16xf32, #tpu.memory_space<vmem>> -> memref<128x16xf32, #tpu.memory_space<vmem>>
      %dma_wait3A_346 = arith.constant 0 : i32
      %dma_wait3A_347 = tpu.memref_slice %arg7[%dma_wait3A_342, %dma_wait3A_346] : memref<26x128xi32, #tpu.memory_space<vmem>> -> memref<1x128xi32, #tpu.memory_space<vmem>>
      %dma_wait3A_348 = tpu.memref_squeeze %dma_wait3A_347 : memref<1x128xi32, #tpu.memory_space<vmem>> -> memref<128xi32, #tpu.memory_space<vmem>>
      %dma_wait3A_349 = arith.constant 0 : i32
      %dma_wait3A_350 = arith.constant 0 : i32
      %dma_wait3A_351 = tpu.memref_slice %arg2[%dma_wait3A_349, %dma_wait3A_350] : memref<2600000x16xf32, #tpu.memory_space<hbm>> -> memref<2600000x16xf32, #tpu.memory_space<hbm>>
      tpu.wait_indirect_dma semaphore(%arg11 : memref<!tpu.dma_semaphore, #tpu.memory_space<semaphore_mem>>) src(%dma_wait3A_351 : memref<2600000x16xf32, #tpu.memory_space<hbm>>) dst(%dma_wait3A_345 : memref<128x16xf32, #tpu.memory_space<vmem>>)
      %dma_wait3A_352 = arith.constant 7 : i32
      %dma_wait3A_353 = arith.constant 896 : i32
      %dma_wait3A_354 = arith.constant 0 : i32
      %dma_wait3A_355 = tpu.memref_slice %arg8[%dma_wait3A_353, %dma_wait3A_354] : memref<3328x16xf32, #tpu.memory_space<vmem>> -> memref<128x16xf32, #tpu.memory_space<vmem>>
      %dma_wait3A_356 = arith.constant 0 : i32
      %dma_wait3A_357 = tpu.memref_slice %arg7[%dma_wait3A_352, %dma_wait3A_356] : memref<26x128xi32, #tpu.memory_space<vmem>> -> memref<1x128xi32, #tpu.memory_space<vmem>>
      %dma_wait3A_358 = tpu.memref_squeeze %dma_wait3A_357 : memref<1x128xi32, #tpu.memory_space<vmem>> -> memref<128xi32, #tpu.memory_space<vmem>>
      %dma_wait3A_359 = arith.constant 0 : i32
      %dma_wait3A_360 = arith.constant 0 : i32
      %dma_wait3A_361 = tpu.memref_slice %arg2[%dma_wait3A_359, %dma_wait3A_360] : memref<2600000x16xf32, #tpu.memory_space<hbm>> -> memref<2600000x16xf32, #tpu.memory_space<hbm>>
      tpu.wait_indirect_dma semaphore(%arg11 : memref<!tpu.dma_semaphore, #tpu.memory_space<semaphore_mem>>) src(%dma_wait3A_361 : memref<2600000x16xf32, #tpu.memory_space<hbm>>) dst(%dma_wait3A_355 : memref<128x16xf32, #tpu.memory_space<vmem>>)
      %dma_wait3A_362 = arith.constant 8 : i32
      %dma_wait3A_363 = arith.constant 1024 : i32
      %dma_wait3A_364 = arith.constant 0 : i32
      %dma_wait3A_365 = tpu.memref_slice %arg8[%dma_wait3A_363, %dma_wait3A_364] : memref<3328x16xf32, #tpu.memory_space<vmem>> -> memref<128x16xf32, #tpu.memory_space<vmem>>
      %dma_wait3A_366 = arith.constant 0 : i32
      %dma_wait3A_367 = tpu.memref_slice %arg7[%dma_wait3A_362, %dma_wait3A_366] : memref<26x128xi32, #tpu.memory_space<vmem>> -> memref<1x128xi32, #tpu.memory_space<vmem>>
      %dma_wait3A_368 = tpu.memref_squeeze %dma_wait3A_367 : memref<1x128xi32, #tpu.memory_space<vmem>> -> memref<128xi32, #tpu.memory_space<vmem>>
      %dma_wait3A_369 = arith.constant 0 : i32
      %dma_wait3A_370 = arith.constant 0 : i32
      %dma_wait3A_371 = tpu.memref_slice %arg2[%dma_wait3A_369, %dma_wait3A_370] : memref<2600000x16xf32, #tpu.memory_space<hbm>> -> memref<2600000x16xf32, #tpu.memory_space<hbm>>
      tpu.wait_indirect_dma semaphore(%arg11 : memref<!tpu.dma_semaphore, #tpu.memory_space<semaphore_mem>>) src(%dma_wait3A_371 : memref<2600000x16xf32, #tpu.memory_space<hbm>>) dst(%dma_wait3A_365 : memref<128x16xf32, #tpu.memory_space<vmem>>)
      %dma_wait3A_372 = arith.constant 9 : i32
      %dma_wait3A_373 = arith.constant 1152 : i32
      %dma_wait3A_374 = arith.constant 0 : i32
      %dma_wait3A_375 = tpu.memref_slice %arg8[%dma_wait3A_373, %dma_wait3A_374] : memref<3328x16xf32, #tpu.memory_space<vmem>> -> memref<128x16xf32, #tpu.memory_space<vmem>>
      %dma_wait3A_376 = arith.constant 0 : i32
      %dma_wait3A_377 = tpu.memref_slice %arg7[%dma_wait3A_372, %dma_wait3A_376] : memref<26x128xi32, #tpu.memory_space<vmem>> -> memref<1x128xi32, #tpu.memory_space<vmem>>
      %dma_wait3A_378 = tpu.memref_squeeze %dma_wait3A_377 : memref<1x128xi32, #tpu.memory_space<vmem>> -> memref<128xi32, #tpu.memory_space<vmem>>
      %dma_wait3A_379 = arith.constant 0 : i32
      %dma_wait3A_380 = arith.constant 0 : i32
      %dma_wait3A_381 = tpu.memref_slice %arg2[%dma_wait3A_379, %dma_wait3A_380] : memref<2600000x16xf32, #tpu.memory_space<hbm>> -> memref<2600000x16xf32, #tpu.memory_space<hbm>>
      tpu.wait_indirect_dma semaphore(%arg11 : memref<!tpu.dma_semaphore, #tpu.memory_space<semaphore_mem>>) src(%dma_wait3A_381 : memref<2600000x16xf32, #tpu.memory_space<hbm>>) dst(%dma_wait3A_375 : memref<128x16xf32, #tpu.memory_space<vmem>>)
      %dma_wait3A_382 = arith.constant 10 : i32
      %dma_wait3A_383 = arith.constant 1280 : i32
      %dma_wait3A_384 = arith.constant 0 : i32
      %dma_wait3A_385 = tpu.memref_slice %arg8[%dma_wait3A_383, %dma_wait3A_384] : memref<3328x16xf32, #tpu.memory_space<vmem>> -> memref<128x16xf32, #tpu.memory_space<vmem>>
      %dma_wait3A_386 = arith.constant 0 : i32
      %dma_wait3A_387 = tpu.memref_slice %arg7[%dma_wait3A_382, %dma_wait3A_386] : memref<26x128xi32, #tpu.memory_space<vmem>> -> memref<1x128xi32, #tpu.memory_space<vmem>>
      %dma_wait3A_388 = tpu.memref_squeeze %dma_wait3A_387 : memref<1x128xi32, #tpu.memory_space<vmem>> -> memref<128xi32, #tpu.memory_space<vmem>>
      %dma_wait3A_389 = arith.constant 0 : i32
      %dma_wait3A_390 = arith.constant 0 : i32
      %dma_wait3A_391 = tpu.memref_slice %arg2[%dma_wait3A_389, %dma_wait3A_390] : memref<2600000x16xf32, #tpu.memory_space<hbm>> -> memref<2600000x16xf32, #tpu.memory_space<hbm>>
      tpu.wait_indirect_dma semaphore(%arg11 : memref<!tpu.dma_semaphore, #tpu.memory_space<semaphore_mem>>) src(%dma_wait3A_391 : memref<2600000x16xf32, #tpu.memory_space<hbm>>) dst(%dma_wait3A_385 : memref<128x16xf32, #tpu.memory_space<vmem>>)
      %dma_wait3A_392 = arith.constant 11 : i32
      %dma_wait3A_393 = arith.constant 1408 : i32
      %dma_wait3A_394 = arith.constant 0 : i32
      %dma_wait3A_395 = tpu.memref_slice %arg8[%dma_wait3A_393, %dma_wait3A_394] : memref<3328x16xf32, #tpu.memory_space<vmem>> -> memref<128x16xf32, #tpu.memory_space<vmem>>
      %dma_wait3A_396 = arith.constant 0 : i32
      %dma_wait3A_397 = tpu.memref_slice %arg7[%dma_wait3A_392, %dma_wait3A_396] : memref<26x128xi32, #tpu.memory_space<vmem>> -> memref<1x128xi32, #tpu.memory_space<vmem>>
      %dma_wait3A_398 = tpu.memref_squeeze %dma_wait3A_397 : memref<1x128xi32, #tpu.memory_space<vmem>> -> memref<128xi32, #tpu.memory_space<vmem>>
      %dma_wait3A_399 = arith.constant 0 : i32
      %dma_wait3A_400 = arith.constant 0 : i32
      %dma_wait3A_401 = tpu.memref_slice %arg2[%dma_wait3A_399, %dma_wait3A_400] : memref<2600000x16xf32, #tpu.memory_space<hbm>> -> memref<2600000x16xf32, #tpu.memory_space<hbm>>
      tpu.wait_indirect_dma semaphore(%arg11 : memref<!tpu.dma_semaphore, #tpu.memory_space<semaphore_mem>>) src(%dma_wait3A_401 : memref<2600000x16xf32, #tpu.memory_space<hbm>>) dst(%dma_wait3A_395 : memref<128x16xf32, #tpu.memory_space<vmem>>)
      %dma_wait3A_402 = arith.constant 12 : i32
      %dma_wait3A_403 = arith.constant 1536 : i32
      %dma_wait3A_404 = arith.constant 0 : i32
      %dma_wait3A_405 = tpu.memref_slice %arg8[%dma_wait3A_403, %dma_wait3A_404] : memref<3328x16xf32, #tpu.memory_space<vmem>> -> memref<128x16xf32, #tpu.memory_space<vmem>>
      %dma_wait3A_406 = arith.constant 0 : i32
      %dma_wait3A_407 = tpu.memref_slice %arg7[%dma_wait3A_402, %dma_wait3A_406] : memref<26x128xi32, #tpu.memory_space<vmem>> -> memref<1x128xi32, #tpu.memory_space<vmem>>
      %dma_wait3A_408 = tpu.memref_squeeze %dma_wait3A_407 : memref<1x128xi32, #tpu.memory_space<vmem>> -> memref<128xi32, #tpu.memory_space<vmem>>
      %dma_wait3A_409 = arith.constant 0 : i32
      %dma_wait3A_410 = arith.constant 0 : i32
      %dma_wait3A_411 = tpu.memref_slice %arg2[%dma_wait3A_409, %dma_wait3A_410] : memref<2600000x16xf32, #tpu.memory_space<hbm>> -> memref<2600000x16xf32, #tpu.memory_space<hbm>>
      tpu.wait_indirect_dma semaphore(%arg11 : memref<!tpu.dma_semaphore, #tpu.memory_space<semaphore_mem>>) src(%dma_wait3A_411 : memref<2600000x16xf32, #tpu.memory_space<hbm>>) dst(%dma_wait3A_405 : memref<128x16xf32, #tpu.memory_space<vmem>>)
      %dma_wait3A_412 = arith.constant 13 : i32
      %dma_wait3A_413 = arith.constant 1664 : i32
      %dma_wait3A_414 = arith.constant 0 : i32
      %dma_wait3A_415 = tpu.memref_slice %arg8[%dma_wait3A_413, %dma_wait3A_414] : memref<3328x16xf32, #tpu.memory_space<vmem>> -> memref<128x16xf32, #tpu.memory_space<vmem>>
      %dma_wait3A_416 = arith.constant 0 : i32
      %dma_wait3A_417 = tpu.memref_slice %arg7[%dma_wait3A_412, %dma_wait3A_416] : memref<26x128xi32, #tpu.memory_space<vmem>> -> memref<1x128xi32, #tpu.memory_space<vmem>>
      %dma_wait3A_418 = tpu.memref_squeeze %dma_wait3A_417 : memref<1x128xi32, #tpu.memory_space<vmem>> -> memref<128xi32, #tpu.memory_space<vmem>>
      %dma_wait3A_419 = arith.constant 0 : i32
      %dma_wait3A_420 = arith.constant 0 : i32
      %dma_wait3A_421 = tpu.memref_slice %arg2[%dma_wait3A_419, %dma_wait3A_420] : memref<2600000x16xf32, #tpu.memory_space<hbm>> -> memref<2600000x16xf32, #tpu.memory_space<hbm>>
      tpu.wait_indirect_dma semaphore(%arg11 : memref<!tpu.dma_semaphore, #tpu.memory_space<semaphore_mem>>) src(%dma_wait3A_421 : memref<2600000x16xf32, #tpu.memory_space<hbm>>) dst(%dma_wait3A_415 : memref<128x16xf32, #tpu.memory_space<vmem>>)
      %dma_wait3A_422 = arith.constant 14 : i32
      %dma_wait3A_423 = arith.constant 1792 : i32
      %dma_wait3A_424 = arith.constant 0 : i32
      %dma_wait3A_425 = tpu.memref_slice %arg8[%dma_wait3A_423, %dma_wait3A_424] : memref<3328x16xf32, #tpu.memory_space<vmem>> -> memref<128x16xf32, #tpu.memory_space<vmem>>
      %dma_wait3A_426 = arith.constant 0 : i32
      %dma_wait3A_427 = tpu.memref_slice %arg7[%dma_wait3A_422, %dma_wait3A_426] : memref<26x128xi32, #tpu.memory_space<vmem>> -> memref<1x128xi32, #tpu.memory_space<vmem>>
      %dma_wait3A_428 = tpu.memref_squeeze %dma_wait3A_427 : memref<1x128xi32, #tpu.memory_space<vmem>> -> memref<128xi32, #tpu.memory_space<vmem>>
      %dma_wait3A_429 = arith.constant 0 : i32
      %dma_wait3A_430 = arith.constant 0 : i32
      %dma_wait3A_431 = tpu.memref_slice %arg2[%dma_wait3A_429, %dma_wait3A_430] : memref<2600000x16xf32, #tpu.memory_space<hbm>> -> memref<2600000x16xf32, #tpu.memory_space<hbm>>
      tpu.wait_indirect_dma semaphore(%arg11 : memref<!tpu.dma_semaphore, #tpu.memory_space<semaphore_mem>>) src(%dma_wait3A_431 : memref<2600000x16xf32, #tpu.memory_space<hbm>>) dst(%dma_wait3A_425 : memref<128x16xf32, #tpu.memory_space<vmem>>)
      %dma_wait3A_432 = arith.constant 15 : i32
      %dma_wait3A_433 = arith.constant 1920 : i32
      %dma_wait3A_434 = arith.constant 0 : i32
      %dma_wait3A_435 = tpu.memref_slice %arg8[%dma_wait3A_433, %dma_wait3A_434] : memref<3328x16xf32, #tpu.memory_space<vmem>> -> memref<128x16xf32, #tpu.memory_space<vmem>>
      %dma_wait3A_436 = arith.constant 0 : i32
      %dma_wait3A_437 = tpu.memref_slice %arg7[%dma_wait3A_432, %dma_wait3A_436] : memref<26x128xi32, #tpu.memory_space<vmem>> -> memref<1x128xi32, #tpu.memory_space<vmem>>
      %dma_wait3A_438 = tpu.memref_squeeze %dma_wait3A_437 : memref<1x128xi32, #tpu.memory_space<vmem>> -> memref<128xi32, #tpu.memory_space<vmem>>
      %dma_wait3A_439 = arith.constant 0 : i32
      %dma_wait3A_440 = arith.constant 0 : i32
      %dma_wait3A_441 = tpu.memref_slice %arg2[%dma_wait3A_439, %dma_wait3A_440] : memref<2600000x16xf32, #tpu.memory_space<hbm>> -> memref<2600000x16xf32, #tpu.memory_space<hbm>>
      tpu.wait_indirect_dma semaphore(%arg11 : memref<!tpu.dma_semaphore, #tpu.memory_space<semaphore_mem>>) src(%dma_wait3A_441 : memref<2600000x16xf32, #tpu.memory_space<hbm>>) dst(%dma_wait3A_435 : memref<128x16xf32, #tpu.memory_space<vmem>>)
      %dma_wait3A_442 = arith.constant 16 : i32
      %dma_wait3A_443 = arith.constant 2048 : i32
      %dma_wait3A_444 = arith.constant 0 : i32
      %dma_wait3A_445 = tpu.memref_slice %arg8[%dma_wait3A_443, %dma_wait3A_444] : memref<3328x16xf32, #tpu.memory_space<vmem>> -> memref<128x16xf32, #tpu.memory_space<vmem>>
      %dma_wait3A_446 = arith.constant 0 : i32
      %dma_wait3A_447 = tpu.memref_slice %arg7[%dma_wait3A_442, %dma_wait3A_446] : memref<26x128xi32, #tpu.memory_space<vmem>> -> memref<1x128xi32, #tpu.memory_space<vmem>>
      %dma_wait3A_448 = tpu.memref_squeeze %dma_wait3A_447 : memref<1x128xi32, #tpu.memory_space<vmem>> -> memref<128xi32, #tpu.memory_space<vmem>>
      %dma_wait3A_449 = arith.constant 0 : i32
      %dma_wait3A_450 = arith.constant 0 : i32
      %dma_wait3A_451 = tpu.memref_slice %arg2[%dma_wait3A_449, %dma_wait3A_450] : memref<2600000x16xf32, #tpu.memory_space<hbm>> -> memref<2600000x16xf32, #tpu.memory_space<hbm>>
      tpu.wait_indirect_dma semaphore(%arg11 : memref<!tpu.dma_semaphore, #tpu.memory_space<semaphore_mem>>) src(%dma_wait3A_451 : memref<2600000x16xf32, #tpu.memory_space<hbm>>) dst(%dma_wait3A_445 : memref<128x16xf32, #tpu.memory_space<vmem>>)
      %dma_wait3A_452 = arith.constant 17 : i32
      %dma_wait3A_453 = arith.constant 2176 : i32
      %dma_wait3A_454 = arith.constant 0 : i32
      %dma_wait3A_455 = tpu.memref_slice %arg8[%dma_wait3A_453, %dma_wait3A_454] : memref<3328x16xf32, #tpu.memory_space<vmem>> -> memref<128x16xf32, #tpu.memory_space<vmem>>
      %dma_wait3A_456 = arith.constant 0 : i32
      %dma_wait3A_457 = tpu.memref_slice %arg7[%dma_wait3A_452, %dma_wait3A_456] : memref<26x128xi32, #tpu.memory_space<vmem>> -> memref<1x128xi32, #tpu.memory_space<vmem>>
      %dma_wait3A_458 = tpu.memref_squeeze %dma_wait3A_457 : memref<1x128xi32, #tpu.memory_space<vmem>> -> memref<128xi32, #tpu.memory_space<vmem>>
      %dma_wait3A_459 = arith.constant 0 : i32
      %dma_wait3A_460 = arith.constant 0 : i32
      %dma_wait3A_461 = tpu.memref_slice %arg2[%dma_wait3A_459, %dma_wait3A_460] : memref<2600000x16xf32, #tpu.memory_space<hbm>> -> memref<2600000x16xf32, #tpu.memory_space<hbm>>
      tpu.wait_indirect_dma semaphore(%arg11 : memref<!tpu.dma_semaphore, #tpu.memory_space<semaphore_mem>>) src(%dma_wait3A_461 : memref<2600000x16xf32, #tpu.memory_space<hbm>>) dst(%dma_wait3A_455 : memref<128x16xf32, #tpu.memory_space<vmem>>)
      %dma_wait3A_462 = arith.constant 18 : i32
      %dma_wait3A_463 = arith.constant 2304 : i32
      %dma_wait3A_464 = arith.constant 0 : i32
      %dma_wait3A_465 = tpu.memref_slice %arg8[%dma_wait3A_463, %dma_wait3A_464] : memref<3328x16xf32, #tpu.memory_space<vmem>> -> memref<128x16xf32, #tpu.memory_space<vmem>>
      %dma_wait3A_466 = arith.constant 0 : i32
      %dma_wait3A_467 = tpu.memref_slice %arg7[%dma_wait3A_462, %dma_wait3A_466] : memref<26x128xi32, #tpu.memory_space<vmem>> -> memref<1x128xi32, #tpu.memory_space<vmem>>
      %dma_wait3A_468 = tpu.memref_squeeze %dma_wait3A_467 : memref<1x128xi32, #tpu.memory_space<vmem>> -> memref<128xi32, #tpu.memory_space<vmem>>
      %dma_wait3A_469 = arith.constant 0 : i32
      %dma_wait3A_470 = arith.constant 0 : i32
      %dma_wait3A_471 = tpu.memref_slice %arg2[%dma_wait3A_469, %dma_wait3A_470] : memref<2600000x16xf32, #tpu.memory_space<hbm>> -> memref<2600000x16xf32, #tpu.memory_space<hbm>>
      tpu.wait_indirect_dma semaphore(%arg11 : memref<!tpu.dma_semaphore, #tpu.memory_space<semaphore_mem>>) src(%dma_wait3A_471 : memref<2600000x16xf32, #tpu.memory_space<hbm>>) dst(%dma_wait3A_465 : memref<128x16xf32, #tpu.memory_space<vmem>>)
      %dma_wait3A_472 = arith.constant 19 : i32
      %dma_wait3A_473 = arith.constant 2432 : i32
      %dma_wait3A_474 = arith.constant 0 : i32
      %dma_wait3A_475 = tpu.memref_slice %arg8[%dma_wait3A_473, %dma_wait3A_474] : memref<3328x16xf32, #tpu.memory_space<vmem>> -> memref<128x16xf32, #tpu.memory_space<vmem>>
      %dma_wait3A_476 = arith.constant 0 : i32
      %dma_wait3A_477 = tpu.memref_slice %arg7[%dma_wait3A_472, %dma_wait3A_476] : memref<26x128xi32, #tpu.memory_space<vmem>> -> memref<1x128xi32, #tpu.memory_space<vmem>>
      %dma_wait3A_478 = tpu.memref_squeeze %dma_wait3A_477 : memref<1x128xi32, #tpu.memory_space<vmem>> -> memref<128xi32, #tpu.memory_space<vmem>>
      %dma_wait3A_479 = arith.constant 0 : i32
      %dma_wait3A_480 = arith.constant 0 : i32
      %dma_wait3A_481 = tpu.memref_slice %arg2[%dma_wait3A_479, %dma_wait3A_480] : memref<2600000x16xf32, #tpu.memory_space<hbm>> -> memref<2600000x16xf32, #tpu.memory_space<hbm>>
      tpu.wait_indirect_dma semaphore(%arg11 : memref<!tpu.dma_semaphore, #tpu.memory_space<semaphore_mem>>) src(%dma_wait3A_481 : memref<2600000x16xf32, #tpu.memory_space<hbm>>) dst(%dma_wait3A_475 : memref<128x16xf32, #tpu.memory_space<vmem>>)
      %dma_wait3A_482 = arith.constant 20 : i32
      %dma_wait3A_483 = arith.constant 2560 : i32
      %dma_wait3A_484 = arith.constant 0 : i32
      %dma_wait3A_485 = tpu.memref_slice %arg8[%dma_wait3A_483, %dma_wait3A_484] : memref<3328x16xf32, #tpu.memory_space<vmem>> -> memref<128x16xf32, #tpu.memory_space<vmem>>
      %dma_wait3A_486 = arith.constant 0 : i32
      %dma_wait3A_487 = tpu.memref_slice %arg7[%dma_wait3A_482, %dma_wait3A_486] : memref<26x128xi32, #tpu.memory_space<vmem>> -> memref<1x128xi32, #tpu.memory_space<vmem>>
      %dma_wait3A_488 = tpu.memref_squeeze %dma_wait3A_487 : memref<1x128xi32, #tpu.memory_space<vmem>> -> memref<128xi32, #tpu.memory_space<vmem>>
      %dma_wait3A_489 = arith.constant 0 : i32
      %dma_wait3A_490 = arith.constant 0 : i32
      %dma_wait3A_491 = tpu.memref_slice %arg2[%dma_wait3A_489, %dma_wait3A_490] : memref<2600000x16xf32, #tpu.memory_space<hbm>> -> memref<2600000x16xf32, #tpu.memory_space<hbm>>
      tpu.wait_indirect_dma semaphore(%arg11 : memref<!tpu.dma_semaphore, #tpu.memory_space<semaphore_mem>>) src(%dma_wait3A_491 : memref<2600000x16xf32, #tpu.memory_space<hbm>>) dst(%dma_wait3A_485 : memref<128x16xf32, #tpu.memory_space<vmem>>)
      %dma_wait3A_492 = arith.constant 21 : i32
      %dma_wait3A_493 = arith.constant 2688 : i32
      %dma_wait3A_494 = arith.constant 0 : i32
      %dma_wait3A_495 = tpu.memref_slice %arg8[%dma_wait3A_493, %dma_wait3A_494] : memref<3328x16xf32, #tpu.memory_space<vmem>> -> memref<128x16xf32, #tpu.memory_space<vmem>>
      %dma_wait3A_496 = arith.constant 0 : i32
      %dma_wait3A_497 = tpu.memref_slice %arg7[%dma_wait3A_492, %dma_wait3A_496] : memref<26x128xi32, #tpu.memory_space<vmem>> -> memref<1x128xi32, #tpu.memory_space<vmem>>
      %dma_wait3A_498 = tpu.memref_squeeze %dma_wait3A_497 : memref<1x128xi32, #tpu.memory_space<vmem>> -> memref<128xi32, #tpu.memory_space<vmem>>
      %dma_wait3A_499 = arith.constant 0 : i32
      %dma_wait3A_500 = arith.constant 0 : i32
      %dma_wait3A_501 = tpu.memref_slice %arg2[%dma_wait3A_499, %dma_wait3A_500] : memref<2600000x16xf32, #tpu.memory_space<hbm>> -> memref<2600000x16xf32, #tpu.memory_space<hbm>>
      tpu.wait_indirect_dma semaphore(%arg11 : memref<!tpu.dma_semaphore, #tpu.memory_space<semaphore_mem>>) src(%dma_wait3A_501 : memref<2600000x16xf32, #tpu.memory_space<hbm>>) dst(%dma_wait3A_495 : memref<128x16xf32, #tpu.memory_space<vmem>>)
      %dma_wait3A_502 = arith.constant 22 : i32
      %dma_wait3A_503 = arith.constant 2816 : i32
      %dma_wait3A_504 = arith.constant 0 : i32
      %dma_wait3A_505 = tpu.memref_slice %arg8[%dma_wait3A_503, %dma_wait3A_504] : memref<3328x16xf32, #tpu.memory_space<vmem>> -> memref<128x16xf32, #tpu.memory_space<vmem>>
      %dma_wait3A_506 = arith.constant 0 : i32
      %dma_wait3A_507 = tpu.memref_slice %arg7[%dma_wait3A_502, %dma_wait3A_506] : memref<26x128xi32, #tpu.memory_space<vmem>> -> memref<1x128xi32, #tpu.memory_space<vmem>>
      %dma_wait3A_508 = tpu.memref_squeeze %dma_wait3A_507 : memref<1x128xi32, #tpu.memory_space<vmem>> -> memref<128xi32, #tpu.memory_space<vmem>>
      %dma_wait3A_509 = arith.constant 0 : i32
      %dma_wait3A_510 = arith.constant 0 : i32
      %dma_wait3A_511 = tpu.memref_slice %arg2[%dma_wait3A_509, %dma_wait3A_510] : memref<2600000x16xf32, #tpu.memory_space<hbm>> -> memref<2600000x16xf32, #tpu.memory_space<hbm>>
      tpu.wait_indirect_dma semaphore(%arg11 : memref<!tpu.dma_semaphore, #tpu.memory_space<semaphore_mem>>) src(%dma_wait3A_511 : memref<2600000x16xf32, #tpu.memory_space<hbm>>) dst(%dma_wait3A_505 : memref<128x16xf32, #tpu.memory_space<vmem>>)
      %dma_wait3A_512 = arith.constant 23 : i32
      %dma_wait3A_513 = arith.constant 2944 : i32
      %dma_wait3A_514 = arith.constant 0 : i32
      %dma_wait3A_515 = tpu.memref_slice %arg8[%dma_wait3A_513, %dma_wait3A_514] : memref<3328x16xf32, #tpu.memory_space<vmem>> -> memref<128x16xf32, #tpu.memory_space<vmem>>
      %dma_wait3A_516 = arith.constant 0 : i32
      %dma_wait3A_517 = tpu.memref_slice %arg7[%dma_wait3A_512, %dma_wait3A_516] : memref<26x128xi32, #tpu.memory_space<vmem>> -> memref<1x128xi32, #tpu.memory_space<vmem>>
      %dma_wait3A_518 = tpu.memref_squeeze %dma_wait3A_517 : memref<1x128xi32, #tpu.memory_space<vmem>> -> memref<128xi32, #tpu.memory_space<vmem>>
      %dma_wait3A_519 = arith.constant 0 : i32
      %dma_wait3A_520 = arith.constant 0 : i32
      %dma_wait3A_521 = tpu.memref_slice %arg2[%dma_wait3A_519, %dma_wait3A_520] : memref<2600000x16xf32, #tpu.memory_space<hbm>> -> memref<2600000x16xf32, #tpu.memory_space<hbm>>
      tpu.wait_indirect_dma semaphore(%arg11 : memref<!tpu.dma_semaphore, #tpu.memory_space<semaphore_mem>>) src(%dma_wait3A_521 : memref<2600000x16xf32, #tpu.memory_space<hbm>>) dst(%dma_wait3A_515 : memref<128x16xf32, #tpu.memory_space<vmem>>)
      %dma_wait3A_522 = arith.constant 24 : i32
      %dma_wait3A_523 = arith.constant 3072 : i32
      %dma_wait3A_524 = arith.constant 0 : i32
      %dma_wait3A_525 = tpu.memref_slice %arg8[%dma_wait3A_523, %dma_wait3A_524] : memref<3328x16xf32, #tpu.memory_space<vmem>> -> memref<128x16xf32, #tpu.memory_space<vmem>>
      %dma_wait3A_526 = arith.constant 0 : i32
      %dma_wait3A_527 = tpu.memref_slice %arg7[%dma_wait3A_522, %dma_wait3A_526] : memref<26x128xi32, #tpu.memory_space<vmem>> -> memref<1x128xi32, #tpu.memory_space<vmem>>
      %dma_wait3A_528 = tpu.memref_squeeze %dma_wait3A_527 : memref<1x128xi32, #tpu.memory_space<vmem>> -> memref<128xi32, #tpu.memory_space<vmem>>
      %dma_wait3A_529 = arith.constant 0 : i32
      %dma_wait3A_530 = arith.constant 0 : i32
      %dma_wait3A_531 = tpu.memref_slice %arg2[%dma_wait3A_529, %dma_wait3A_530] : memref<2600000x16xf32, #tpu.memory_space<hbm>> -> memref<2600000x16xf32, #tpu.memory_space<hbm>>
      tpu.wait_indirect_dma semaphore(%arg11 : memref<!tpu.dma_semaphore, #tpu.memory_space<semaphore_mem>>) src(%dma_wait3A_531 : memref<2600000x16xf32, #tpu.memory_space<hbm>>) dst(%dma_wait3A_525 : memref<128x16xf32, #tpu.memory_space<vmem>>)
      %dma_wait3A_532 = arith.constant 25 : i32
      %dma_wait3A_533 = arith.constant 3200 : i32
      %dma_wait3A_534 = arith.constant 0 : i32
      %dma_wait3A_535 = tpu.memref_slice %arg8[%dma_wait3A_533, %dma_wait3A_534] : memref<3328x16xf32, #tpu.memory_space<vmem>> -> memref<128x16xf32, #tpu.memory_space<vmem>>
      %dma_wait3A_536 = arith.constant 0 : i32
      %dma_wait3A_537 = tpu.memref_slice %arg7[%dma_wait3A_532, %dma_wait3A_536] : memref<26x128xi32, #tpu.memory_space<vmem>> -> memref<1x128xi32, #tpu.memory_space<vmem>>
      %dma_wait3A_538 = tpu.memref_squeeze %dma_wait3A_537 : memref<1x128xi32, #tpu.memory_space<vmem>> -> memref<128xi32, #tpu.memory_space<vmem>>
      %dma_wait3A_539 = arith.constant 0 : i32
      %dma_wait3A_540 = arith.constant 0 : i32
      %dma_wait3A_541 = tpu.memref_slice %arg2[%dma_wait3A_539, %dma_wait3A_540] : memref<2600000x16xf32, #tpu.memory_space<hbm>> -> memref<2600000x16xf32, #tpu.memory_space<hbm>>
      tpu.wait_indirect_dma semaphore(%arg11 : memref<!tpu.dma_semaphore, #tpu.memory_space<semaphore_mem>>) src(%dma_wait3A_541 : memref<2600000x16xf32, #tpu.memory_space<hbm>>) dst(%dma_wait3A_535 : memref<128x16xf32, #tpu.memory_space<vmem>>)
      %scan3A_542 = arith.constant 0 : i32
      %scan3A_543 = arith.constant 0 : i32
      %scan3A_544 = arith.constant 128 : i32
      %scan3A_545 = arith.addi %scan3A_543, %scan3A_544 : i32
      %scan3A_546 = arith.constant 1 : i32
      scf.for %scan3A_550 = %scan3A_543 to %scan3A_545 step %scan3A_546  : i32 {
        %mul3A_551 = arith.constant 429 : i32
        %mul3A_552 = arith.muli %scan3A_550, %mul3A_551 : i32
        %mul3A_553 = arith.constant 26 : i32
        %mul3A_554 = arith.muli %scan3A_550, %mul3A_553 : i32
        %add3A_555 = arith.constant 0 : i32
        %add3A_556 = arith.addi %mul3A_554, %add3A_555 : i32
        %get3A = arith.index_cast %add3A_556 : i32 to index
        %get3A_557 = arith.constant 0 : index
        %get3A_558 = tpu.vector_load %arg8[%get3A, %get3A_557] {strides = array<i32>} : memref<3328x16xf32, #tpu.memory_space<vmem>>, vector<16xf32>,
        %add3A_559 = arith.constant 0 : i32
        %add3A_560 = arith.addi %mul3A_552, %add3A_559 : i32
        %add3A_561 = vector.broadcast %add3A_560 : i32 to vector<16xi32>
        %add3A_562 = arith.addi %add3A_561, %iota3A : vector<16xi32>
        tpu.vector_store_idx %arg10[%add3A_562], %get3A_558 : memref<54912xf32, #tpu.memory_space<vmem>>[vector<16xi32>], vector<16xf32>,
        %add3A_563 = arith.constant 1 : i32
        %add3A_564 = arith.addi %mul3A_554, %add3A_563 : i32
        %get3A_565 = arith.index_cast %add3A_564 : i32 to index
        %get3A_566 = arith.constant 0 : index
        %get3A_567 = tpu.vector_load %arg8[%get3A_565, %get3A_566] {strides = array<i32>} : memref<3328x16xf32, #tpu.memory_space<vmem>>, vector<16xf32>,
        %add3A_568 = arith.constant 16 : i32
        %add3A_569 = arith.addi %mul3A_552, %add3A_568 : i32
        %add3A_570 = vector.broadcast %add3A_569 : i32 to vector<16xi32>
        %add3A_571 = arith.addi %add3A_570, %iota3A : vector<16xi32>
        tpu.vector_store_idx %arg10[%add3A_571], %get3A_567 : memref<54912xf32, #tpu.memory_space<vmem>>[vector<16xi32>], vector<16xf32>,
        %add3A_572 = arith.constant 2 : i32
        %add3A_573 = arith.addi %mul3A_554, %add3A_572 : i32
        %get3A_574 = arith.index_cast %add3A_573 : i32 to index
        %get3A_575 = arith.constant 0 : index
        %get3A_576 = tpu.vector_load %arg8[%get3A_574, %get3A_575] {strides = array<i32>} : memref<3328x16xf32, #tpu.memory_space<vmem>>, vector<16xf32>,
        %add3A_577 = arith.constant 32 : i32
        %add3A_578 = arith.addi %mul3A_552, %add3A_577 : i32
        %add3A_579 = vector.broadcast %add3A_578 : i32 to vector<16xi32>
        %add3A_580 = arith.addi %add3A_579, %iota3A : vector<16xi32>
        tpu.vector_store_idx %arg10[%add3A_580], %get3A_576 : memref<54912xf32, #tpu.memory_space<vmem>>[vector<16xi32>], vector<16xf32>,
        %add3A_581 = arith.constant 3 : i32
        %add3A_582 = arith.addi %mul3A_554, %add3A_581 : i32
        %get3A_583 = arith.index_cast %add3A_582 : i32 to index
        %get3A_584 = arith.constant 0 : index
        %get3A_585 = tpu.vector_load %arg8[%get3A_583, %get3A_584] {strides = array<i32>} : memref<3328x16xf32, #tpu.memory_space<vmem>>, vector<16xf32>,
        %add3A_586 = arith.constant 48 : i32
        %add3A_587 = arith.addi %mul3A_552, %add3A_586 : i32
        %add3A_588 = vector.broadcast %add3A_587 : i32 to vector<16xi32>
        %add3A_589 = arith.addi %add3A_588, %iota3A : vector<16xi32>
        tpu.vector_store_idx %arg10[%add3A_589], %get3A_585 : memref<54912xf32, #tpu.memory_space<vmem>>[vector<16xi32>], vector<16xf32>,
        %add3A_590 = arith.constant 4 : i32
        %add3A_591 = arith.addi %mul3A_554, %add3A_590 : i32
        %get3A_592 = arith.index_cast %add3A_591 : i32 to index
        %get3A_593 = arith.constant 0 : index
        %get3A_594 = tpu.vector_load %arg8[%get3A_592, %get3A_593] {strides = array<i32>} : memref<3328x16xf32, #tpu.memory_space<vmem>>, vector<16xf32>,
        %add3A_595 = arith.constant 64 : i32
        %add3A_596 = arith.addi %mul3A_552, %add3A_595 : i32
        %add3A_597 = vector.broadcast %add3A_596 : i32 to vector<16xi32>
        %add3A_598 = arith.addi %add3A_597, %iota3A : vector<16xi32>
        tpu.vector_store_idx %arg10[%add3A_598], %get3A_594 : memref<54912xf32, #tpu.memory_space<vmem>>[vector<16xi32>], vector<16xf32>,
        %add3A_599 = arith.constant 5 : i32
        %add3A_600 = arith.addi %mul3A_554, %add3A_599 : i32
        %get3A_601 = arith.index_cast %add3A_600 : i32 to index
        %get3A_602 = arith.constant 0 : index
        %get3A_603 = tpu.vector_load %arg8[%get3A_601, %get3A_602] {strides = array<i32>} : memref<3328x16xf32, #tpu.memory_space<vmem>>, vector<16xf32>,
        %add3A_604 = arith.constant 80 : i32
        %add3A_605 = arith.addi %mul3A_552, %add3A_604 : i32
        %add3A_606 = vector.broadcast %add3A_605 : i32 to vector<16xi32>
        %add3A_607 = arith.addi %add3A_606, %iota3A : vector<16xi32>
        tpu.vector_store_idx %arg10[%add3A_607], %get3A_603 : memref<54912xf32, #tpu.memory_space<vmem>>[vector<16xi32>], vector<16xf32>,
        %add3A_608 = arith.constant 6 : i32
        %add3A_609 = arith.addi %mul3A_554, %add3A_608 : i32
        %get3A_610 = arith.index_cast %add3A_609 : i32 to index
        %get3A_611 = arith.constant 0 : index
        %get3A_612 = tpu.vector_load %arg8[%get3A_610, %get3A_611] {strides = array<i32>} : memref<3328x16xf32, #tpu.memory_space<vmem>>, vector<16xf32>,
        %add3A_613 = arith.constant 96 : i32
        %add3A_614 = arith.addi %mul3A_552, %add3A_613 : i32
        %add3A_615 = vector.broadcast %add3A_614 : i32 to vector<16xi32>
        %add3A_616 = arith.addi %add3A_615, %iota3A : vector<16xi32>
        tpu.vector_store_idx %arg10[%add3A_616], %get3A_612 : memref<54912xf32, #tpu.memory_space<vmem>>[vector<16xi32>], vector<16xf32>,
        %add3A_617 = arith.constant 7 : i32
        %add3A_618 = arith.addi %mul3A_554, %add3A_617 : i32
        %get3A_619 = arith.index_cast %add3A_618 : i32 to index
        %get3A_620 = arith.constant 0 : index
        %get3A_621 = tpu.vector_load %arg8[%get3A_619, %get3A_620] {strides = array<i32>} : memref<3328x16xf32, #tpu.memory_space<vmem>>, vector<16xf32>,
        %add3A_622 = arith.constant 112 : i32
        %add3A_623 = arith.addi %mul3A_552, %add3A_622 : i32
        %add3A_624 = vector.broadcast %add3A_623 : i32 to vector<16xi32>
        %add3A_625 = arith.addi %add3A_624, %iota3A : vector<16xi32>
        tpu.vector_store_idx %arg10[%add3A_625], %get3A_621 : memref<54912xf32, #tpu.memory_space<vmem>>[vector<16xi32>], vector<16xf32>,
        %add3A_626 = arith.constant 8 : i32
        %add3A_627 = arith.addi %mul3A_554, %add3A_626 : i32
        %get3A_628 = arith.index_cast %add3A_627 : i32 to index
        %get3A_629 = arith.constant 0 : index
        %get3A_630 = tpu.vector_load %arg8[%get3A_628, %get3A_629] {strides = array<i32>} : memref<3328x16xf32, #tpu.memory_space<vmem>>, vector<16xf32>,
        %add3A_631 = arith.constant 128 : i32
        %add3A_632 = arith.addi %mul3A_552, %add3A_631 : i32
        %add3A_633 = vector.broadcast %add3A_632 : i32 to vector<16xi32>
        %add3A_634 = arith.addi %add3A_633, %iota3A : vector<16xi32>
        tpu.vector_store_idx %arg10[%add3A_634], %get3A_630 : memref<54912xf32, #tpu.memory_space<vmem>>[vector<16xi32>], vector<16xf32>,
        %add3A_635 = arith.constant 9 : i32
        %add3A_636 = arith.addi %mul3A_554, %add3A_635 : i32
        %get3A_637 = arith.index_cast %add3A_636 : i32 to index
        %get3A_638 = arith.constant 0 : index
        %get3A_639 = tpu.vector_load %arg8[%get3A_637, %get3A_638] {strides = array<i32>} : memref<3328x16xf32, #tpu.memory_space<vmem>>, vector<16xf32>,
        %add3A_640 = arith.constant 144 : i32
        %add3A_641 = arith.addi %mul3A_552, %add3A_640 : i32
        %add3A_642 = vector.broadcast %add3A_641 : i32 to vector<16xi32>
        %add3A_643 = arith.addi %add3A_642, %iota3A : vector<16xi32>
        tpu.vector_store_idx %arg10[%add3A_643], %get3A_639 : memref<54912xf32, #tpu.memory_space<vmem>>[vector<16xi32>], vector<16xf32>,
        %add3A_644 = arith.constant 10 : i32
        %add3A_645 = arith.addi %mul3A_554, %add3A_644 : i32
        %get3A_646 = arith.index_cast %add3A_645 : i32 to index
        %get3A_647 = arith.constant 0 : index
        %get3A_648 = tpu.vector_load %arg8[%get3A_646, %get3A_647] {strides = array<i32>} : memref<3328x16xf32, #tpu.memory_space<vmem>>, vector<16xf32>,
        %add3A_649 = arith.constant 160 : i32
        %add3A_650 = arith.addi %mul3A_552, %add3A_649 : i32
        %add3A_651 = vector.broadcast %add3A_650 : i32 to vector<16xi32>
        %add3A_652 = arith.addi %add3A_651, %iota3A : vector<16xi32>
        tpu.vector_store_idx %arg10[%add3A_652], %get3A_648 : memref<54912xf32, #tpu.memory_space<vmem>>[vector<16xi32>], vector<16xf32>,
        %add3A_653 = arith.constant 11 : i32
        %add3A_654 = arith.addi %mul3A_554, %add3A_653 : i32
        %get3A_655 = arith.index_cast %add3A_654 : i32 to index
        %get3A_656 = arith.constant 0 : index
        %get3A_657 = tpu.vector_load %arg8[%get3A_655, %get3A_656] {strides = array<i32>} : memref<3328x16xf32, #tpu.memory_space<vmem>>, vector<16xf32>,
        %add3A_658 = arith.constant 176 : i32
        %add3A_659 = arith.addi %mul3A_552, %add3A_658 : i32
        %add3A_660 = vector.broadcast %add3A_659 : i32 to vector<16xi32>
        %add3A_661 = arith.addi %add3A_660, %iota3A : vector<16xi32>
        tpu.vector_store_idx %arg10[%add3A_661], %get3A_657 : memref<54912xf32, #tpu.memory_space<vmem>>[vector<16xi32>], vector<16xf32>,
        %add3A_662 = arith.constant 12 : i32
        %add3A_663 = arith.addi %mul3A_554, %add3A_662 : i32
        %get3A_664 = arith.index_cast %add3A_663 : i32 to index
        %get3A_665 = arith.constant 0 : index
        %get3A_666 = tpu.vector_load %arg8[%get3A_664, %get3A_665] {strides = array<i32>} : memref<3328x16xf32, #tpu.memory_space<vmem>>, vector<16xf32>,
        %add3A_667 = arith.constant 192 : i32
        %add3A_668 = arith.addi %mul3A_552, %add3A_667 : i32
        %add3A_669 = vector.broadcast %add3A_668 : i32 to vector<16xi32>
        %add3A_670 = arith.addi %add3A_669, %iota3A : vector<16xi32>
        tpu.vector_store_idx %arg10[%add3A_670], %get3A_666 : memref<54912xf32, #tpu.memory_space<vmem>>[vector<16xi32>], vector<16xf32>,
        %add3A_671 = arith.constant 13 : i32
        %add3A_672 = arith.addi %mul3A_554, %add3A_671 : i32
        %get3A_673 = arith.index_cast %add3A_672 : i32 to index
        %get3A_674 = arith.constant 0 : index
        %get3A_675 = tpu.vector_load %arg8[%get3A_673, %get3A_674] {strides = array<i32>} : memref<3328x16xf32, #tpu.memory_space<vmem>>, vector<16xf32>,
        %add3A_676 = arith.constant 208 : i32
        %add3A_677 = arith.addi %mul3A_552, %add3A_676 : i32
        %add3A_678 = vector.broadcast %add3A_677 : i32 to vector<16xi32>
        %add3A_679 = arith.addi %add3A_678, %iota3A : vector<16xi32>
        tpu.vector_store_idx %arg10[%add3A_679], %get3A_675 : memref<54912xf32, #tpu.memory_space<vmem>>[vector<16xi32>], vector<16xf32>,
        %add3A_680 = arith.constant 14 : i32
        %add3A_681 = arith.addi %mul3A_554, %add3A_680 : i32
        %get3A_682 = arith.index_cast %add3A_681 : i32 to index
        %get3A_683 = arith.constant 0 : index
        %get3A_684 = tpu.vector_load %arg8[%get3A_682, %get3A_683] {strides = array<i32>} : memref<3328x16xf32, #tpu.memory_space<vmem>>, vector<16xf32>,
        %add3A_685 = arith.constant 224 : i32
        %add3A_686 = arith.addi %mul3A_552, %add3A_685 : i32
        %add3A_687 = vector.broadcast %add3A_686 : i32 to vector<16xi32>
        %add3A_688 = arith.addi %add3A_687, %iota3A : vector<16xi32>
        tpu.vector_store_idx %arg10[%add3A_688], %get3A_684 : memref<54912xf32, #tpu.memory_space<vmem>>[vector<16xi32>], vector<16xf32>,
        %add3A_689 = arith.constant 15 : i32
        %add3A_690 = arith.addi %mul3A_554, %add3A_689 : i32
        %get3A_691 = arith.index_cast %add3A_690 : i32 to index
        %get3A_692 = arith.constant 0 : index
        %get3A_693 = tpu.vector_load %arg8[%get3A_691, %get3A_692] {strides = array<i32>} : memref<3328x16xf32, #tpu.memory_space<vmem>>, vector<16xf32>,
        %add3A_694 = arith.constant 240 : i32
        %add3A_695 = arith.addi %mul3A_552, %add3A_694 : i32
        %add3A_696 = vector.broadcast %add3A_695 : i32 to vector<16xi32>
        %add3A_697 = arith.addi %add3A_696, %iota3A : vector<16xi32>
        tpu.vector_store_idx %arg10[%add3A_697], %get3A_693 : memref<54912xf32, #tpu.memory_space<vmem>>[vector<16xi32>], vector<16xf32>,
        %add3A_698 = arith.constant 16 : i32
        %add3A_699 = arith.addi %mul3A_554, %add3A_698 : i32
        %get3A_700 = arith.index_cast %add3A_699 : i32 to index
        %get3A_701 = arith.constant 0 : index
        %get3A_702 = tpu.vector_load %arg8[%get3A_700, %get3A_701] {strides = array<i32>} : memref<3328x16xf32, #tpu.memory_space<vmem>>, vector<16xf32>,
        %add3A_703 = arith.constant 256 : i32
        %add3A_704 = arith.addi %mul3A_552, %add3A_703 : i32
        %add3A_705 = vector.broadcast %add3A_704 : i32 to vector<16xi32>
        %add3A_706 = arith.addi %add3A_705, %iota3A : vector<16xi32>
        tpu.vector_store_idx %arg10[%add3A_706], %get3A_702 : memref<54912xf32, #tpu.memory_space<vmem>>[vector<16xi32>], vector<16xf32>,
        %add3A_707 = arith.constant 17 : i32
        %add3A_708 = arith.addi %mul3A_554, %add3A_707 : i32
        %get3A_709 = arith.index_cast %add3A_708 : i32 to index
        %get3A_710 = arith.constant 0 : index
        %get3A_711 = tpu.vector_load %arg8[%get3A_709, %get3A_710] {strides = array<i32>} : memref<3328x16xf32, #tpu.memory_space<vmem>>, vector<16xf32>,
        %add3A_712 = arith.constant 272 : i32
        %add3A_713 = arith.addi %mul3A_552, %add3A_712 : i32
        %add3A_714 = vector.broadcast %add3A_713 : i32 to vector<16xi32>
        %add3A_715 = arith.addi %add3A_714, %iota3A : vector<16xi32>
        tpu.vector_store_idx %arg10[%add3A_715], %get3A_711 : memref<54912xf32, #tpu.memory_space<vmem>>[vector<16xi32>], vector<16xf32>,
        %add3A_716 = arith.constant 18 : i32
        %add3A_717 = arith.addi %mul3A_554, %add3A_716 : i32
        %get3A_718 = arith.index_cast %add3A_717 : i32 to index
        %get3A_719 = arith.constant 0 : index
        %get3A_720 = tpu.vector_load %arg8[%get3A_718, %get3A_719] {strides = array<i32>} : memref<3328x16xf32, #tpu.memory_space<vmem>>, vector<16xf32>,
        %add3A_721 = arith.constant 288 : i32
        %add3A_722 = arith.addi %mul3A_552, %add3A_721 : i32
        %add3A_723 = vector.broadcast %add3A_722 : i32 to vector<16xi32>
        %add3A_724 = arith.addi %add3A_723, %iota3A : vector<16xi32>
        tpu.vector_store_idx %arg10[%add3A_724], %get3A_720 : memref<54912xf32, #tpu.memory_space<vmem>>[vector<16xi32>], vector<16xf32>,
        %add3A_725 = arith.constant 19 : i32
        %add3A_726 = arith.addi %mul3A_554, %add3A_725 : i32
        %get3A_727 = arith.index_cast %add3A_726 : i32 to index
        %get3A_728 = arith.constant 0 : index
        %get3A_729 = tpu.vector_load %arg8[%get3A_727, %get3A_728] {strides = array<i32>} : memref<3328x16xf32, #tpu.memory_space<vmem>>, vector<16xf32>,
        %add3A_730 = arith.constant 304 : i32
        %add3A_731 = arith.addi %mul3A_552, %add3A_730 : i32
        %add3A_732 = vector.broadcast %add3A_731 : i32 to vector<16xi32>
        %add3A_733 = arith.addi %add3A_732, %iota3A : vector<16xi32>
        tpu.vector_store_idx %arg10[%add3A_733], %get3A_729 : memref<54912xf32, #tpu.memory_space<vmem>>[vector<16xi32>], vector<16xf32>,
        %add3A_734 = arith.constant 20 : i32
        %add3A_735 = arith.addi %mul3A_554, %add3A_734 : i32
        %get3A_736 = arith.index_cast %add3A_735 : i32 to index
        %get3A_737 = arith.constant 0 : index
        %get3A_738 = tpu.vector_load %arg8[%get3A_736, %get3A_737] {strides = array<i32>} : memref<3328x16xf32, #tpu.memory_space<vmem>>, vector<16xf32>,
        %add3A_739 = arith.constant 320 : i32
        %add3A_740 = arith.addi %mul3A_552, %add3A_739 : i32
        %add3A_741 = vector.broadcast %add3A_740 : i32 to vector<16xi32>
        %add3A_742 = arith.addi %add3A_741, %iota3A : vector<16xi32>
        tpu.vector_store_idx %arg10[%add3A_742], %get3A_738 : memref<54912xf32, #tpu.memory_space<vmem>>[vector<16xi32>], vector<16xf32>,
        %add3A_743 = arith.constant 21 : i32
        %add3A_744 = arith.addi %mul3A_554, %add3A_743 : i32
        %get3A_745 = arith.index_cast %add3A_744 : i32 to index
        %get3A_746 = arith.constant 0 : index
        %get3A_747 = tpu.vector_load %arg8[%get3A_745, %get3A_746] {strides = array<i32>} : memref<3328x16xf32, #tpu.memory_space<vmem>>, vector<16xf32>,
        %add3A_748 = arith.constant 336 : i32
        %add3A_749 = arith.addi %mul3A_552, %add3A_748 : i32
        %add3A_750 = vector.broadcast %add3A_749 : i32 to vector<16xi32>
        %add3A_751 = arith.addi %add3A_750, %iota3A : vector<16xi32>
        tpu.vector_store_idx %arg10[%add3A_751], %get3A_747 : memref<54912xf32, #tpu.memory_space<vmem>>[vector<16xi32>], vector<16xf32>,
        %add3A_752 = arith.constant 22 : i32
        %add3A_753 = arith.addi %mul3A_554, %add3A_752 : i32
        %get3A_754 = arith.index_cast %add3A_753 : i32 to index
        %get3A_755 = arith.constant 0 : index
        %get3A_756 = tpu.vector_load %arg8[%get3A_754, %get3A_755] {strides = array<i32>} : memref<3328x16xf32, #tpu.memory_space<vmem>>, vector<16xf32>,
        %add3A_757 = arith.constant 352 : i32
        %add3A_758 = arith.addi %mul3A_552, %add3A_757 : i32
        %add3A_759 = vector.broadcast %add3A_758 : i32 to vector<16xi32>
        %add3A_760 = arith.addi %add3A_759, %iota3A : vector<16xi32>
        tpu.vector_store_idx %arg10[%add3A_760], %get3A_756 : memref<54912xf32, #tpu.memory_space<vmem>>[vector<16xi32>], vector<16xf32>,
        %add3A_761 = arith.constant 23 : i32
        %add3A_762 = arith.addi %mul3A_554, %add3A_761 : i32
        %get3A_763 = arith.index_cast %add3A_762 : i32 to index
        %get3A_764 = arith.constant 0 : index
        %get3A_765 = tpu.vector_load %arg8[%get3A_763, %get3A_764] {strides = array<i32>} : memref<3328x16xf32, #tpu.memory_space<vmem>>, vector<16xf32>,
        %add3A_766 = arith.constant 368 : i32
        %add3A_767 = arith.addi %mul3A_552, %add3A_766 : i32
        %add3A_768 = vector.broadcast %add3A_767 : i32 to vector<16xi32>
        %add3A_769 = arith.addi %add3A_768, %iota3A : vector<16xi32>
        tpu.vector_store_idx %arg10[%add3A_769], %get3A_765 : memref<54912xf32, #tpu.memory_space<vmem>>[vector<16xi32>], vector<16xf32>,
        %add3A_770 = arith.constant 24 : i32
        %add3A_771 = arith.addi %mul3A_554, %add3A_770 : i32
        %get3A_772 = arith.index_cast %add3A_771 : i32 to index
        %get3A_773 = arith.constant 0 : index
        %get3A_774 = tpu.vector_load %arg8[%get3A_772, %get3A_773] {strides = array<i32>} : memref<3328x16xf32, #tpu.memory_space<vmem>>, vector<16xf32>,
        %add3A_775 = arith.constant 384 : i32
        %add3A_776 = arith.addi %mul3A_552, %add3A_775 : i32
        %add3A_777 = vector.broadcast %add3A_776 : i32 to vector<16xi32>
        %add3A_778 = arith.addi %add3A_777, %iota3A : vector<16xi32>
        tpu.vector_store_idx %arg10[%add3A_778], %get3A_774 : memref<54912xf32, #tpu.memory_space<vmem>>[vector<16xi32>], vector<16xf32>,
        %add3A_779 = arith.constant 25 : i32
        %add3A_780 = arith.addi %mul3A_554, %add3A_779 : i32
        %get3A_781 = arith.index_cast %add3A_780 : i32 to index
        %get3A_782 = arith.constant 0 : index
        %get3A_783 = tpu.vector_load %arg8[%get3A_781, %get3A_782] {strides = array<i32>} : memref<3328x16xf32, #tpu.memory_space<vmem>>, vector<16xf32>,
        %add3A_784 = arith.constant 400 : i32
        %add3A_785 = arith.addi %mul3A_552, %add3A_784 : i32
        %add3A_786 = vector.broadcast %add3A_785 : i32 to vector<16xi32>
        %add3A_787 = arith.addi %add3A_786, %iota3A : vector<16xi32>
        tpu.vector_store_idx %arg10[%add3A_787], %get3A_783 : memref<54912xf32, #tpu.memory_space<vmem>>[vector<16xi32>], vector<16xf32>,
        %mul3A_788 = arith.constant 13 : i32
        %mul3A_789 = arith.muli %scan3A_550, %mul3A_788 : i32
        %add3A_790 = vector.broadcast %mul3A_789 : i32 to vector<16xi32>
        %add3A_791 = arith.addi %add3A_790, %iota3A : vector<16xi32>
        %gather3A = tpu.vector_load_idx %arg9[%add3A_791] : memref<1680xf32, #tpu.memory_space<vmem>>[vector<16xi32>], vector<16xf32>,
        %add3A_792 = arith.constant 416 : i32
        %add3A_793 = arith.addi %mul3A_552, %add3A_792 : i32
        %add3A_794 = vector.broadcast %add3A_793 : i32 to vector<16xi32>
        %add3A_795 = arith.addi %add3A_794, %iota3A : vector<16xi32>
        tpu.vector_store_idx %arg10[%add3A_795], %gather3A masked %lt3A_4 : memref<54912xf32, #tpu.memory_space<vmem>>[vector<16xi32>], vector<16xf32>, vector<16xi1>
      }
      %scan3A_547 = arith.constant 128 : i32
      %mul3A_548 = arith.constant 429 : i32
      %mul3A_549 = arith.muli %add3A_13, %mul3A_548 : i32
      "tpu.region"() ({
        %run_scoped3A = tpu.sem_alloc : memref<!tpu.dma_semaphore, #tpu.memory_space<semaphore_mem>>
        %dma_start3A_550 = tpu.memref_slice %arg5[%mul3A_549] : memref<35143680xf32, #tpu.memory_space<hbm>> -> memref<54912xf32, #tpu.memory_space<hbm>>
        %dma_start3A_551 = tpu.memref_slice %arg5[%mul3A_549] : memref<35143680xf32, #tpu.memory_space<hbm>> -> memref<54912xf32, #tpu.memory_space<hbm>>
        tpu.enqueue_dma source(%arg10 : memref<54912xf32, #tpu.memory_space<vmem>>) target(%dma_start3A_551 : memref<54912xf32, #tpu.memory_space<hbm>>) target_semaphore(%run_scoped3A : memref<!tpu.dma_semaphore, #tpu.memory_space<semaphore_mem>>)
        %dma_wait3A_552 = tpu.memref_slice %arg5[%mul3A_549] : memref<35143680xf32, #tpu.memory_space<hbm>> -> memref<54912xf32, #tpu.memory_space<hbm>>
        %dma_wait3A_553 = tpu.memref_slice %arg5[%mul3A_549] : memref<35143680xf32, #tpu.memory_space<hbm>> -> memref<54912xf32, #tpu.memory_space<hbm>>
        tpu.wait_dma2 semaphore(%run_scoped3A : memref<!tpu.dma_semaphore, #tpu.memory_space<semaphore_mem>>) src(%arg10 : memref<54912xf32, #tpu.memory_space<vmem>>) dst(%dma_wait3A_553 : memref<54912xf32, #tpu.memory_space<hbm>>)
        tpu.yield
      }) : () -> ()
    }
    %scan3A_9 = arith.constant 20 : i32
    return
  }
}

</mosaic_0001>

<sc_bundles>
// kernel: _concat_emb.3.cloned.1.call-start
scs
__scs_entry_jumppad:
0x0: {  	(pc) =	sbr.rel $0x88, $3  }
0x1: {  	(tag) =	ssettag $0x0;
	lr =	simm.s32 $0x1  }
0x2: {  	[smem:$0x3F9E] =	sst lr;
	_ =	strace $0xD0000000  }
0x3: {  	_ = 	snop  }
0x4: {  	_ = 	snop  }
0x5: {  	_ = 	snop  }
0x6: {  	_ = 	snop  }
0x7: {  	_ = 	snop  }
__scs_overlays_trampoline_lowered:
0x8: {  	[smem:$0x3FAD] =	sst s0  }
0x9: {  	[smem:$0x3FAE] =	sst s1  }
0xa: {  	[smem:$0x3FAF] =	sst s2  }
0xb: {  	[smem:$0x3FB0] =	sst s3  }
0xc: {  	[smem:$0x3FB1] =	sst s4  }
0xd: {  	[smem:$0x3FB2] =	sst s5  }
0xe: {  	[smem:$0x3FB3] =	sst s6  }
0xf: {  	[smem:$0x3FB4] =	sst s7  }
0x10: {  	[smem:$0x3FB5] =	sst s8  }
0x11: {  	[smem:$0x3FB6] =	sst s9;
	s0 =	simm.s32 @!p0 $0x0  }
0x12: {  	s1 =	sld [smem:$0x3F9C];
	s0 =	simm.s32 @p0 $0x1  }
0x13: {  	[smem:$0x3FB7] =	sst s0;
	s0 =	simm.s32 @!p1 $0x0  }
0x14: {  	s2 =	sld [smem:$0x3F9B];
	s0 =	simm.s32 @p1 $0x1  }
0x15: {  	[smem:$0x3FB8] =	sst s0;
	s0 =	simm.s32 @!p2 $0x0  }
0x16: {  	s3 =	sld [smem:$0x3FDB];
	s0 =	simm.s32 @p2 $0x1  }
0x17: {  	s4 =	simm.s32 $0x1BF5;
	[smem:$0x3FBA] =	sst s0  }
0x18: {  	s0 =	sld [smem:$0x3F9D];
	_ =	swait.ge [sflag:s4], $0x0  }
0x19: {  	s7 =	sld [smem:$0x3F9E]  }
0x1a: {  	s8 =	sadd.s32 $0xFFFFE003, lr  }
0x1b: {  	s9 =	sadd.s32 $0xFFFFFEF7, lr;
	s5 =	simm.s32 $0xFFFFFFFF;
	p2 =	slt.u32 s8, $0xFFFFF086  }
0x1c: {  	p1 =	slt.u32 s9, $0xF7A;
	s5 =	simm.s32 @!p2 $0x0  }
0x1d: {  	s5 =	simm.s32 @p1 $0x1;
	p0 =	seq.s32 s7, s2  }
0x1e: {  	s7 =	smul.u32 @!p0 $0xF7A, s2;
	p2 =	seq.s32 @!p0 s5, $0x0  }
0x1f: {  	s9 =	smul.u32 $0xF7A, s1;
	s8 =	simm.s32 @!p0 $0x1BF5;
	p2 =	por !p2, p0  }
0x20: {  	[sflag:s8] =	ssyncset.s32 @!p0 $0xFFFFF086;
	s6 =	sadd.s32 @!p0 s3, s7;
	s7 =	simm.s32 @!p0 $0x108  }
0x21: {  	s3 =	sadd.s32 s3, s9;
	s6 =	sadd.s32 @!p0 $0x88, s6;
	s7 =	simm.s32 @p2 $0x1082  }
0x22: {  	[simem:s7], [sflag:s8] =	dma.local @!p0 [hbm:s6], $0xF7A  }
0x23: {  	s9 =	sor.u32 $0xD0000000, s2;
	s6 =	simm.s32 $0x108;
	_ =	swait.ge @!p0 [sflag:s8], $0x0  }
0x24: {  	s3 =	sadd.s32 $0x88, s3;
	s6 =	simm.s32 @!p1 $0x1082;
	[sflag:s4] =	ssyncset.s32 $0xFFFFF086  }
0x25: {  	[simem:s6], [sflag:s4] =	dma.local [hbm:s3], $0xF7A  }
0x26: {  	[smem:$0x3F9E] =	sst s1;
	(tag) =	ssettag s2;
	_ =	strace s9  }
0x27: {  	s1 =	sld [smem:$0x3FAE]  }
0x28: {  	s2 =	sld [smem:$0x3FAF]  }
0x29: {  	s4 =	sld [smem:$0x3FB1]  }
0x2a: {  	p0 =	seq.s32 s5, $0x0;
	s5 =	sld [smem:$0x3FB2]  }
0x2b: {  	s6 =	sld [smem:$0x3FB3]  }
0x2c: {  	s7 =	sld [smem:$0x3FB4]  }
0x2d: {  	s3 =	simm.s32 $0x108;
	s8 =	sld [smem:$0x3FB5]  }
0x2e: {  	s3 =	simm.s32 @!p0 $0x1082;
	s9 =	sld [smem:$0x3FB6]  }
0x2f: {  	lr =	sadd.s32 s0, s3;
	s0 =	sld [smem:$0x3FAD]  }
0x30: {  	s3 =	sld [smem:$0x3FB0]  }
0x31: {  	[smem:$0x3FB9] =	sst s10  }
0x32: {  	s10 =	sld [smem:$0x3FB7];
	_ =	sdelay $0x3  }
0x33: {  	p0 =	seq.s32 s10, $0x1;
	s10 =	sld [smem:$0x3FB9];
	_ =	sdelay $0x3  }
0x34: {  	[smem:$0x3FB9] =	sst s10  }
0x35: {  	s10 =	sld [smem:$0x3FB8];
	_ =	sdelay $0x3  }
0x36: {  	p1 =	seq.s32 s10, $0x1;
	s10 =	sld [smem:$0x3FB9];
	_ =	sdelay $0x3  }
0x37: {  	[smem:$0x3FB9] =	sst s10  }
0x38: {  	s10 =	sld [smem:$0x3FBA]  }
0x39: {  	_ = 	snop;
	(pc) =	sbr.ind lr, $3  }
0x3a: {  	_ = 	snop  }
0x3b: {  	_ = 	snop  }
0x3c: {  	p2 =	seq.s32 s10, $0x1;
	s10 =	sld [smem:$0x3FB9]  }
0x3d: {  	_ =	shalt  }
0x3e: {  	_ =	shalt  }
0x3f: {  	_ =	shalt  }
0x40: {  	_ =	shalt  }
0x41: {  	_ =	shalt  }
0x42: {  	_ =	shalt  }
0x43: {  	_ =	shalt  }
0x44: {  	_ =	shalt  }
0x45: {  	_ =	shalt  }
0x46: {  	_ =	shalt  }
0x47: {  	_ =	shalt  }
0x48: {  	_ =	shalt  }
0x49: {  	_ =	shalt  }
0x4a: {  	_ =	shalt  }
0x4b: {  	_ =	shalt  }
0x4c: {  	_ =	shalt  }
0x4d: {  	_ =	shalt  }
0x4e: {  	_ =	shalt  }
0x4f: {  	_ =	shalt  }
0x50: {  	_ =	shalt  }
0x51: {  	_ =	shalt  }
0x52: {  	_ =	shalt  }
0x53: {  	_ =	shalt  }
0x54: {  	_ =	shalt  }
0x55: {  	_ =	shalt  }
0x56: {  	_ =	shalt  }
0x57: {  	_ =	shalt  }
0x58: {  	_ =	shalt  }
0x59: {  	_ =	shalt  }
0x5a: {  	_ =	shalt  }
0x5b: {  	_ =	shalt  }
0x5c: {  	_ =	shalt  }
0x5d: {  	_ =	shalt  }
0x5e: {  	_ =	shalt  }
0x5f: {  	_ =	shalt  }
0x60: {  	_ =	shalt  }
0x61: {  	_ =	shalt  }
0x62: {  	_ =	shalt  }
0x63: {  	_ =	shalt  }
0x64: {  	_ =	shalt  }
0x65: {  	_ =	shalt  }
0x66: {  	_ =	shalt  }
0x67: {  	_ =	shalt  }
0x68: {  	_ =	shalt  }
0x69: {  	_ =	shalt  }
0x6a: {  	_ =	shalt  }
0x6b: {  	_ =	shalt  }
0x6c: {  	_ =	shalt  }
0x6d: {  	_ =	shalt  }
0x6e: {  	_ =	shalt  }
0x6f: {  	_ =	shalt  }
0x70: {  	_ =	shalt  }
0x71: {  	_ =	shalt  }
0x72: {  	_ =	shalt  }
0x73: {  	_ =	shalt  }
0x74: {  	_ =	shalt  }
0x75: {  	_ =	shalt  }
0x76: {  	_ =	shalt  }
0x77: {  	_ =	shalt  }
0x78: {  	_ =	shalt  }
0x79: {  	_ =	shalt  }
0x7a: {  	_ =	shalt  }
0x7b: {  	_ =	shalt  }
0x7c: {  	_ =	shalt  }
0x7d: {  	_ =	shalt  }
0x7e: {  	_ =	shalt  }
0x7f: {  	_ =	shalt  }
0x80: {  	_ =	shalt  }
0x81: {  	_ =	shalt  }
0x82: {  	_ =	shalt  }
0x83: {  	_ =	shalt  }
0x84: {  	_ =	shalt  }
0x85: {  	_ =	shalt  }
0x86: {  	_ =	shalt  }
0x87: {  	_ =	shalt  }
.Lfunc_end0:
.L_simem_size_0:
called_computation_lowered:
.L_overlay_start_0:
0x88: {  	s2 =	sld [smem:$0x3FD9]  }
0x89: {  	s3 =	sld [smem:$0x3FFE];
	_ =	sdelay $0x1  }
0x8a: {  	s1 =	srdreg.scid  }
0x8b: {  	s0 =	sand.u32 $0x1, s1  }
0x8c: {  	s17 =	sshll.u32 s0, $0xA;
	s2 =	sadd.s32 s3, s2  }
0x8d: {  	s2 =	sadd.s32 s2, s17  }
0x8e: {  	[smem:$0x3FC5] =	sst s2  }
0x8f: {  	_ = 	snop  }
0x90: {  	s2 =	sld [smem:$0x3FC8]  }
0x91: {  	s18 =	sld [smem:$0x3FC7]  }
0x92: {  	s4 =	sld [smem:$0x3FD0];
	(tm) =	ssettm $0x1  }
0x93: {  	s5 =	sld [smem:$0x3FFB];
	_ =	sdelay $0x3  }
0x94: {  	_ =	strace s5  }
0x95: {  	s5 =	sld [smem:$0x3FFC];
	_ =	sdelay $0x3  }
0x96: {  	_ =	strace s5  }
0x97: {  	s5 =	sld [smem:$0x3FFD];
	_ =	sdelay $0x3  }
0x98: {  	_ =	strace s5  }
0x99: {  	_ =	strace $0x8FFFFFFF  }
0x9a: {  	s19 =	sld [smem:$0x3FDB];
	_ =	sdelay $0x1  }
0x9b: {  	s6 =	simm.s32 $_scs_section_size  }
0x9c: {  	s7 =	simm.s32 $_size__tile_overlayer_lowered;
	s8 =	simm.s32 $_tile_overlayer_lowered  }
0x9d: {  	s22 =	simm.s32 $0x1BFF;
	s21 =	sshll.u32 s8, $0x1;
	s5 =	sadd.s32 s6, s19  }
0x9e: {  	s9 =	simm.s32 $0x0;
	s20 =	sshll.u32 s7, $0x1;
	s7 =	sadd.s32 s21, s5  }
0x9f: {  	[timem:s9], [sflag:s22] =	dma.local [hbm:s7], s20  }
0xa0: {  	_ =	swait.ge [sflag:s22], s20  }
0xa1: {  	s6 =	ssub.s32 $0x0, s20;
	[sflag:s22] =	ssyncset.done $0x0  }
0xa2: {  	[sflag:s22] =	ssyncadd.s32 s6;
	_ =	sdelay $0x1  }
0xa3: {  	s23 =	simm.s32 $0x1B8B  }
0xa4: {  	_ =	swait.ge [sflag:s23], $0x1  }
0xa5: {  	[sflag:s23] =	ssyncset.done $0x0  }
0xa6: {  	s25 =	simm.s32 $0x1B8E;
	s24 =	sld [smem:$0x3FFE];
	[sflag:s23] =	ssyncadd.s32 $0xFFFFFFFF  }
0xa7: {  	s26 =	simm.s32 $execute0_lowered;
	[smem:$0x3FD2] =	sst s25  }
0xa8: {  	s7 =	sshll.u32 s26, $0x1;
	_ =	strace $0x80000046;
	[dreg:$0x1] =	wrdreg $0xFFFFFFFF  }
0xa9: {  	s28 =	simm.s32 $_size_execute0_lowered;
	s5 =	sadd.s32 s5, s7;
	[dreg:$0x0] =	wrdreg $0x0  }
0xaa: {  	s7 =	sshll.u32 s28, $0x1;
	[dreg:$0x2] =	wrdreg s5  }
0xab: {  	[dreg:$0x3] =	wrdreg s7  }
0xac: {  	[dreg:$0x4] =	wrdreg $0xC0  }
0xad: {  	_ =	task [dreg:s9], $0x5FFFF  }
0xae: {  	[dreg:$0x1] =	wrdreg $0xFFFFFFFF  }
0xaf: {  	[dreg:$0x0] =	wrdreg $0x60  }
0xb0: {  	[dreg:$0x2] =	wrdreg s24  }
0xb1: {  	[dreg:$0x3] =	wrdreg s2  }
0xb2: {  	[dreg:$0x4] =	wrdreg s18  }
0xb3: {  	[dreg:$0x5] =	wrdreg s4  }
0xb4: {  	[dreg:$0x6] =	wrdreg $0x9  }
0xb5: {  	_ =	task.clear_ibuf [dreg:s9], $0x7FFFF;
	_ =	strace $0x90000046  }
0xb6: {  	s29 =	simm.s32 $0x9;
	_ =	strace $0x80000048  }
0xb7: {  	_ =	swait.ge [sflag:s29], $0x1  }
0xb8: {  	[sflag:s29] =	ssyncadd.s32 $0xFFFFFFFF  }
0xb9: {  	_ =	strace $0x90000048  }
0xba: {  	_ =	sfence  }
0xbb: {  	s30 =	sld [smem:$0x0];
	_ =	sdelay $0x2  }
0xbc: {  	s31 =	sshll.u32 s1, $0xD;
	s1 =	sshrl.u32 s1, $0x2  }
0xbd: {  	s3 =	sand.u32 $0x4000, s31;
	s1 =	sadd.s32 s1, s30  }
0xbe: {  	s0 =	sor.u32 s3, s0;
	s1 =	sshll.u32 s1, $0x11  }
0xbf: {  	s0 =	sor.u32 s1, s0  }
0xc0: {  	s0 =	sadd.s32 $0x8F2B, s0  }
0xc1: {  	[sflag:s0] =	ssyncadd.remote.s32 $0x1  }
0xc2: {  	_ =	sfence.sel $0xFFFF  }
0xc3: {  	[dreg:$0x0] =	wrdreg $0xFFFFFFFF;
	(pc) =	sbr.abs _section_cstart, $3  }
0xc4: {  	[dreg:$0x1] =	wrdreg $0xFFFFFFFF  }
0xc5: {  	_ =	task.clear_ibuf [dreg:s9], $0x2FFFF;
	_ =	strace $0x9FFFFFFF  }
0xc6: {  	(tm) =	ssettm $0x7FFFFFFF  }
0xc7: {  	_ =	shalt  }
tec
execute0_lowered:
.L_overlay_start_1:
0x0: {  	(tag) =	ssettag $0x1  }
0x1: {  	s0 =	rddreg [dreg:$0x0];
	s1 =	srdreg.scid  }
0x2: {  	s2 =	simm.s32 $0x0;
	s4 =	stileid.u32;
	s9 =	simm.s32 $0x2  }
0x3: {  	s10 =	simm.s32 $0xEA00;
	s11 =	simm.s32 $0x80;
	s22 =	simm.s32 $0x1600  }
0x4: {  	s23 =	simm.s32 $0xAA00;
	s24 =	simm.s32 $0x1680;
	s28 =	simm.s32 $0xBA00  }
0x5: {  	s29 =	simm.s32 $0x1780;
	s30 =	simm.s32 $0xC200;
	s31 =	simm.s32 $0x1800  }
0x6: {  	s8 =	simm.s32 $0xD200;
	s5 =	simm.s32 $0xE200;
	s12 =	simm.s32 $0x1  }
0x7: {  	s13 =	simm.s32 $0xF090;
	s15 =	simm.s32 $0x0;
	s1 =	sand.u32 $0x1, s1  }
0x8: {  	[smem:$0x7FF] =	sst s2;
	s4 =	sshll.u32 s4, $0x1;
	s6 =	sadd.s32 $0x27AC800, s0  }
0x9: {  	s2 =	simm.s32 $0xDA00;
	s25 =	ssub.s32 $0x2, s1;
	_ =	strace $0x80000047  }
0xa: {  	s1 =	sor.u32 s1, s4;
	s4 =	simm.s32 $0x1880;
	s3 =	sshrl.u32 s25, $0x1  }
0xb: {  	s7 =	smul.u32 $0xA00, s1;
	s1 =	simm.s32 $0x1900;
	s26 =	ssub.s32 s25, s3  }
0xc: {  	s25 =	simm.s32 $0xB200;
	s3 =	simm.s32 $0x1980;
	s0 =	smax.u32 s26, $0x1  }
0xd: {  	v0 =	vlaneseq.u32;
	s26 =	simm.s32 $0x1700;
	[dreg:$0x5] =	wrdreg s0;
	s0 =	simm.s32 $0xCA00  }
.LBB2_1:
0xe: {  	[dreg:$0x6] =	wrdreg s15;
	s14 =	simm.s32 $0x0  }
.LBB2_2:
0xf: {  	s15 =	sshll.u32 s14, $0x7  }
0x10: {  	s15 =	sadd.s32 s7, s15  }
0x11: {  	s16 =	smul.u32 $0x1A, s15;
	_ =	sdelay $0x1  }
0x12: {  	s17 =	rddreg [dreg:$0x1];
	s16 =	sshrl.u32 s16, $0x3  }
0x13: {  	s17 =	sadd.s32 s17, s16;
	s16 =	simm.s32 $0x0  }
0x14: {  	[tilespmem:s16], [sflag:$0x2] =	stream.linear.gather [hbm4b:s17+s16], $0xD00, $0x38;
	[tilespmem:$0x1C710] =	vst v63  }
0x15: {  	_ =	swait.ge [sflag:s9], $0xD00  }
0x16: {  	s21 =	smul.u32 $0xD, s15;
	[sflag:s9] =	ssyncset.done $0x0  }
0x17: {  	[sflag:s9] =	ssyncadd.s32 $0xFFFFF300  }
0x18: {  	v1 =	vor.u32 s16, v0;
	s17 =	sshrl.u32 s21, $0x3;
	s18 =	rddreg [dreg:$0x2]  }
0x19: {  	v2 =	vmulhi.u32 $0x4EC4EC4F, v1;
	s17 =	sadd.s32 s18, s17  }
0x1a: {  	[tilespmem:s10], [sflag:$0x2] =	stream.linear.gather [hbm4b:s17+s16], $0x680, $0x38;
	[tilespmem:$0x1C710] =	vst v63  }
0x1b: {  	v2 =	vshrl.u32 v2, $0x3;
	_ =	swait.ge [sflag:s9], $0x680  }
0x1c: {  	v2 =	vmul.u32 $0x1A, v2;
	[sflag:s9] =	ssyncset.done $0x0  }
0x1d: {  	s19 =	simm.s32 $0x0;
	[sflag:s9] =	ssyncadd.s32 $0xFFFFF980  }
0x1e: {  	v3 =	vsub.s32 v1, v2;
	v2 =	vld [tilespmem:s19+$0x0];
	_ =	sdelay $0x1  }
0x1f: {  	s17 =	simm.s32 $0x10  }
0x20: {  	s20 =	sand.u32 $0x3E00, s16;
	s18 =	simm.s32 $0x40;
	v1 =	vor.u32 s17, v0;
	v3 =	vmul.u32 $0x186A0, v3;
	s19 =	simm.s32 $0x80  }
.LBB2_3:
0x21: {  	p0 =	sne.s32 s19, $0x33C0;
	v4 =	vmulhi.u32 $0x4EC4EC4F, v1;
	s16 =	sand.u32 $0x70, s16;
	s20 =	sshrl.u32 s20, $0x2  }
0x22: {  	v2 =	vadd.s32 v3, v2;
	s20 =	sor.u32 s16, s20;
	s16 =	smov.u32 s17  }
.Ltmp0:
0x23: {  	s21 =	sshra.s32 s18, $0x2;
	v3 =	vshrl.u32 v4, $0x3;
	[tilespmem:s20+$0xD00] =	vst v2;
	(pc) =	sbr.rel @p0 .LBB2_3-.Ltmp0, $3  }
0x24: {  	v3 =	vmul.u32 $0x1A, v3;
	v2 =	vld [tilespmem:s21+$0x0];
	_ =	sdelay $0x1  }
0x25: {  	s17 =	sadd.s32 $0x10, s17;
	v3 =	vsub.s32 v1, v3  }
0x26: {  	s20 =	sand.u32 $0x3E00, s18;
	s18 =	smov.u32 s19;
	s19 =	sadd.s32 $0x40, s19;
	v1 =	vor.u32 s17, v0;
	v3 =	vmul.u32 $0x186A0, v3  }
0x27: {  	v4 =	vmulhi.u32 $0x4EC4EC4F, v1;
	s16 =	sand.u32 $0x70, s16;
	s19 =	sshrl.u32 s20, $0x2  }
0x28: {  	v2 =	vadd.s32 v3, v2;
	s16 =	sor.u32 s16, s19  }
0x29: {  	s21 =	sshra.s32 s18, $0x2;
	v3 =	vshrl.u32 v4, $0x3;
	[tilespmem:s16+$0xD00] =	vst v2  }
0x2a: {  	v2 =	vmul.u32 $0x1A, v3;
	v3 =	vld [tilespmem:s21+$0x0];
	_ =	sdelay $0x1  }
0x2b: {  	v1 =	vsub.s32 v1, v2  }
0x2c: {  	s19 =	sand.u32 $0x3E00, s18;
	v1 =	vmul.u32 $0x186A0, v1  }
0x2d: {  	s17 =	sand.u32 $0x70, s17;
	s16 =	sshrl.u32 s19, $0x2  }
0x2e: {  	s16 =	sor.u32 s17, s16;
	v1 =	vadd.s32 v1, v3  }
0x2f: {  	s20 =	simm.s32 $0xD00;
	s21 =	simm.s32 $0x1A00;
	[tilespmem:s16+$0xD00] =	vst v1  }
0x30: {  	[tilespmem:s21], [sflag:$0x1] =	stream.indirect.gather [hbm4b:s6+s11], $0x10, s20, s11, $0xb8;
	[tilespmem:$0x1C710] =	vst v63  }
0x31: {  	s18 =	simm.s32 $0xD80;
	s19 =	simm.s32 $0x2200  }
0x32: {  	[tilespmem:s19], [sflag:$0x1] =	stream.indirect.gather [hbm4b:s6+s11], $0x10, s18, s11, $0xb8;
	[tilespmem:$0x1C710] =	vst v63  }
0x33: {  	s20 =	simm.s32 $0xE00;
	s21 =	simm.s32 $0x2A00  }
0x34: {  	[tilespmem:s21], [sflag:$0x1] =	stream.indirect.gather [hbm4b:s6+s11], $0x10, s20, s11, $0xb8;
	[tilespmem:$0x1C710] =	vst v63  }
0x35: {  	s18 =	simm.s32 $0xE80;
	s19 =	simm.s32 $0x3200  }
0x36: {  	[tilespmem:s19], [sflag:$0x1] =	stream.indirect.gather [hbm4b:s6+s11], $0x10, s18, s11, $0xb8;
	[tilespmem:$0x1C710] =	vst v63  }
0x37: {  	s20 =	simm.s32 $0xF00;
	s21 =	simm.s32 $0x3A00  }
0x38: {  	[tilespmem:s21], [sflag:$0x1] =	stream.indirect.gather [hbm4b:s6+s11], $0x10, s20, s11, $0xb8;
	[tilespmem:$0x1C710] =	vst v63  }
0x39: {  	s18 =	simm.s32 $0xF80;
	s19 =	simm.s32 $0x4200  }
0x3a: {  	[tilespmem:s19], [sflag:$0x1] =	stream.indirect.gather [hbm4b:s6+s11], $0x10, s18, s11, $0xb8;
	[tilespmem:$0x1C710] =	vst v63  }
0x3b: {  	s20 =	simm.s32 $0x1000;
	s21 =	simm.s32 $0x4A00  }
0x3c: {  	[tilespmem:s21], [sflag:$0x1] =	stream.indirect.gather [hbm4b:s6+s11], $0x10, s20, s11, $0xb8;
	[tilespmem:$0x1C710] =	vst v63  }
0x3d: {  	s18 =	simm.s32 $0x1080;
	s19 =	simm.s32 $0x5200  }
0x3e: {  	[tilespmem:s19], [sflag:$0x1] =	stream.indirect.gather [hbm4b:s6+s11], $0x10, s18, s11, $0xb8;
	[tilespmem:$0x1C710] =	vst v63  }
0x3f: {  	s20 =	simm.s32 $0x1100;
	s21 =	simm.s32 $0x5A00  }
0x40: {  	[tilespmem:s21], [sflag:$0x1] =	stream.indirect.gather [hbm4b:s6+s11], $0x10, s20, s11, $0xb8;
	[tilespmem:$0x1C710] =	vst v63  }
0x41: {  	s18 =	simm.s32 $0x1180;
	s19 =	simm.s32 $0x6200  }
0x42: {  	[tilespmem:s19], [sflag:$0x1] =	stream.indirect.gather [hbm4b:s6+s11], $0x10, s18, s11, $0xb8;
	[tilespmem:$0x1C710] =	vst v63  }
0x43: {  	s20 =	simm.s32 $0x1200;
	s21 =	simm.s32 $0x6A00  }
0x44: {  	[tilespmem:s21], [sflag:$0x1] =	stream.indirect.gather [hbm4b:s6+s11], $0x10, s20, s11, $0xb8;
	[tilespmem:$0x1C710] =	vst v63  }
0x45: {  	s18 =	simm.s32 $0x1280;
	s19 =	simm.s32 $0x7200  }
0x46: {  	[tilespmem:s19], [sflag:$0x1] =	stream.indirect.gather [hbm4b:s6+s11], $0x10, s18, s11, $0xb8;
	[tilespmem:$0x1C710] =	vst v63  }
0x47: {  	s20 =	simm.s32 $0x1300;
	s21 =	simm.s32 $0x7A00  }
0x48: {  	[tilespmem:s21], [sflag:$0x1] =	stream.indirect.gather [hbm4b:s6+s11], $0x10, s20, s11, $0xb8;
	[tilespmem:$0x1C710] =	vst v63  }
0x49: {  	s18 =	simm.s32 $0x1380;
	s19 =	simm.s32 $0x8200  }
0x4a: {  	[tilespmem:s19], [sflag:$0x1] =	stream.indirect.gather [hbm4b:s6+s11], $0x10, s18, s11, $0xb8;
	[tilespmem:$0x1C710] =	vst v63  }
0x4b: {  	s20 =	simm.s32 $0x1400;
	s21 =	simm.s32 $0x8A00  }
0x4c: {  	[tilespmem:s21], [sflag:$0x1] =	stream.indirect.gather [hbm4b:s6+s11], $0x10, s20, s11, $0xb8;
	[tilespmem:$0x1C710] =	vst v63  }
0x4d: {  	s18 =	simm.s32 $0x1480;
	s19 =	simm.s32 $0x9200  }
0x4e: {  	[tilespmem:s19], [sflag:$0x1] =	stream.indirect.gather [hbm4b:s6+s11], $0x10, s18, s11, $0xb8;
	[tilespmem:$0x1C710] =	vst v63  }
0x4f: {  	s20 =	simm.s32 $0x1500;
	s21 =	simm.s32 $0x9A00  }
0x50: {  	[tilespmem:s21], [sflag:$0x1] =	stream.indirect.gather [hbm4b:s6+s11], $0x10, s20, s11, $0xb8;
	[tilespmem:$0x1C710] =	vst v63  }
0x51: {  	s17 =	simm.s32 $0x1580;
	s18 =	simm.s32 $0xA200  }
0x52: {  	[tilespmem:s18], [sflag:$0x1] =	stream.indirect.gather [hbm4b:s6+s11], $0x10, s17, s11, $0xb8;
	[tilespmem:$0x1C710] =	vst v63  }
0x53: {  	_ = 	snop  }
0x54: {  	[tilespmem:s23], [sflag:$0x1] =	stream.indirect.gather [hbm4b:s6+s11], $0x10, s22, s11, $0xb8;
	[tilespmem:$0x1C710] =	vst v63  }
0x55: {  	_ = 	snop  }
0x56: {  	[tilespmem:s25], [sflag:$0x1] =	stream.indirect.gather [hbm4b:s6+s11], $0x10, s24, s11, $0xb8;
	[tilespmem:$0x1C710] =	vst v63  }
0x57: {  	_ = 	snop  }
0x58: {  	[tilespmem:s28], [sflag:$0x1] =	stream.indirect.gather [hbm4b:s6+s11], $0x10, s26, s11, $0xb8;
	[tilespmem:$0x1C710] =	vst v63  }
0x59: {  	_ = 	snop  }
0x5a: {  	[tilespmem:s30], [sflag:$0x1] =	stream.indirect.gather [hbm4b:s6+s11], $0x10, s29, s11, $0xb8;
	[tilespmem:$0x1C710] =	vst v63  }
0x5b: {  	_ = 	snop  }
0x5c: {  	[tilespmem:s0], [sflag:$0x1] =	stream.indirect.gather [hbm4b:s6+s11], $0x10, s31, s11, $0xb8;
	[tilespmem:$0x1C710] =	vst v63  }
0x5d: {  	_ = 	snop  }
0x5e: {  	[tilespmem:s8], [sflag:$0x1] =	stream.indirect.gather [hbm4b:s6+s11], $0x10, s4, s11, $0xb8;
	[tilespmem:$0x1C710] =	vst v63  }
0x5f: {  	_ = 	snop  }
0x60: {  	[tilespmem:s2], [sflag:$0x1] =	stream.indirect.gather [hbm4b:s6+s11], $0x10, s1, s11, $0xb8;
	[tilespmem:$0x1C710] =	vst v63  }
0x61: {  	_ = 	snop  }
0x62: {  	[tilespmem:s5], [sflag:$0x1] =	stream.indirect.gather [hbm4b:s6+s11], $0x10, s3, s11, $0xb8;
	[tilespmem:$0x1C710] =	vst v63  }
0x63: {  	_ =	swait.ge [sflag:s12], $0x800  }
0x64: {  	[sflag:s12] =	ssyncset.done $0x0  }
0x65: {  	[sflag:s12] =	ssyncadd.s32 $0xFFFFF800  }
0x66: {  	_ =	swait.ge [sflag:s12], $0x800  }
0x67: {  	[sflag:s12] =	ssyncset.done $0x0  }
0x68: {  	[sflag:s12] =	ssyncadd.s32 $0xFFFFF800  }
0x69: {  	_ =	swait.ge [sflag:s12], $0x800  }
0x6a: {  	[sflag:s12] =	ssyncset.done $0x0  }
0x6b: {  	[sflag:s12] =	ssyncadd.s32 $0xFFFFF800  }
0x6c: {  	_ =	swait.ge [sflag:s12], $0x800  }
0x6d: {  	[sflag:s12] =	ssyncset.done $0x0  }
0x6e: {  	[sflag:s12] =	ssyncadd.s32 $0xFFFFF800  }
0x6f: {  	_ =	swait.ge [sflag:s12], $0x800  }
0x70: {  	[sflag:s12] =	ssyncset.done $0x0  }
0x71: {  	[sflag:s12] =	ssyncadd.s32 $0xFFFFF800  }
0x72: {  	_ =	swait.ge [sflag:s12], $0x800  }
0x73: {  	[sflag:s12] =	ssyncset.done $0x0  }
0x74: {  	[sflag:s12] =	ssyncadd.s32 $0xFFFFF800  }
0x75: {  	_ =	swait.ge [sflag:s12], $0x800  }
0x76: {  	[sflag:s12] =	ssyncset.done $0x0  }
0x77: {  	[sflag:s12] =	ssyncadd.s32 $0xFFFFF800  }
0x78: {  	_ =	swait.ge [sflag:s12], $0x800  }
0x79: {  	[sflag:s12] =	ssyncset.done $0x0  }
0x7a: {  	[sflag:s12] =	ssyncadd.s32 $0xFFFFF800  }
0x7b: {  	_ =	swait.ge [sflag:s12], $0x800  }
0x7c: {  	[sflag:s12] =	ssyncset.done $0x0  }
0x7d: {  	[sflag:s12] =	ssyncadd.s32 $0xFFFFF800  }
0x7e: {  	_ =	swait.ge [sflag:s12], $0x800  }
0x7f: {  	[sflag:s12] =	ssyncset.done $0x0  }
0x80: {  	[sflag:s12] =	ssyncadd.s32 $0xFFFFF800  }
0x81: {  	_ =	swait.ge [sflag:s12], $0x800  }
0x82: {  	[sflag:s12] =	ssyncset.done $0x0  }
0x83: {  	[sflag:s12] =	ssyncadd.s32 $0xFFFFF800  }
0x84: {  	_ =	swait.ge [sflag:s12], $0x800  }
0x85: {  	[sflag:s12] =	ssyncset.done $0x0  }
0x86: {  	[sflag:s12] =	ssyncadd.s32 $0xFFFFF800  }
0x87: {  	_ =	swait.ge [sflag:s12], $0x800  }
0x88: {  	[sflag:s12] =	ssyncset.done $0x0  }
0x89: {  	[sflag:s12] =	ssyncadd.s32 $0xFFFFF800  }
0x8a: {  	_ =	swait.ge [sflag:s12], $0x800  }
0x8b: {  	[sflag:s12] =	ssyncset.done $0x0  }
0x8c: {  	[sflag:s12] =	ssyncadd.s32 $0xFFFFF800  }
0x8d: {  	_ =	swait.ge [sflag:s12], $0x800  }
0x8e: {  	[sflag:s12] =	ssyncset.done $0x0  }
0x8f: {  	[sflag:s12] =	ssyncadd.s32 $0xFFFFF800  }
0x90: {  	_ =	swait.ge [sflag:s12], $0x800  }
0x91: {  	[sflag:s12] =	ssyncset.done $0x0  }
0x92: {  	[sflag:s12] =	ssyncadd.s32 $0xFFFFF800  }
0x93: {  	_ =	swait.ge [sflag:s12], $0x800  }
0x94: {  	[sflag:s12] =	ssyncset.done $0x0  }
0x95: {  	[sflag:s12] =	ssyncadd.s32 $0xFFFFF800  }
0x96: {  	_ =	swait.ge [sflag:s12], $0x800  }
0x97: {  	[sflag:s12] =	ssyncset.done $0x0  }
0x98: {  	[sflag:s12] =	ssyncadd.s32 $0xFFFFF800  }
0x99: {  	_ =	swait.ge [sflag:s12], $0x800  }
0x9a: {  	[sflag:s12] =	ssyncset.done $0x0  }
0x9b: {  	[sflag:s12] =	ssyncadd.s32 $0xFFFFF800  }
0x9c: {  	_ =	swait.ge [sflag:s12], $0x800  }
0x9d: {  	[sflag:s12] =	ssyncset.done $0x0  }
0x9e: {  	[sflag:s12] =	ssyncadd.s32 $0xFFFFF800  }
0x9f: {  	_ =	swait.ge [sflag:s12], $0x800  }
0xa0: {  	[sflag:s12] =	ssyncset.done $0x0  }
0xa1: {  	[sflag:s12] =	ssyncadd.s32 $0xFFFFF800  }
0xa2: {  	_ =	swait.ge [sflag:s12], $0x800  }
0xa3: {  	[sflag:s12] =	ssyncset.done $0x0  }
0xa4: {  	[sflag:s12] =	ssyncadd.s32 $0xFFFFF800  }
0xa5: {  	_ =	swait.ge [sflag:s12], $0x800  }
0xa6: {  	[sflag:s12] =	ssyncset.done $0x0  }
0xa7: {  	[sflag:s12] =	ssyncadd.s32 $0xFFFFF800  }
0xa8: {  	_ =	swait.ge [sflag:s12], $0x800  }
0xa9: {  	[sflag:s12] =	ssyncset.done $0x0  }
0xaa: {  	[sflag:s12] =	ssyncadd.s32 $0xFFFFF800  }
0xab: {  	_ =	swait.ge [sflag:s12], $0x800  }
0xac: {  	[sflag:s12] =	ssyncset.done $0x0  }
0xad: {  	[sflag:s12] =	ssyncadd.s32 $0xFFFFF800  }
0xae: {  	_ =	swait.ge [sflag:s12], $0x800  }
0xaf: {  	[sflag:s12] =	ssyncset.done $0x0  }
0xb0: {  	s19 =	simm.s32 $0x0;
	s17 =	simm.s32 $0x1AD0;
	[sflag:s12] =	ssyncadd.s32 $0xFFFFF800  }
0xb1: {  	v2 =	vadd.s32 s19, v0;
	v1 =	vld [tilespmem:s17+$0xFFFFFF30];
	_ =	sdelay $0x4  }
0xb2: {  	s20 =	simm.s32 $0x10;
	[tilespmem:v2+s13+$0x0] =	vst.idx.msk $0xffff, v1  }
0xb3: {  	v2 =	vadd.s32 s20, v0;
	v1 =	vld [tilespmem:s17+$0xFFFFFF40];
	_ =	sdelay $0x4  }
0xb4: {  	s21 =	simm.s32 $0x20;
	[tilespmem:v2+s13+$0x0] =	vst.idx.msk $0xffff, v1  }
0xb5: {  	v2 =	vadd.s32 s21, v0;
	v1 =	vld [tilespmem:s17+$0xFFFFFF50];
	_ =	sdelay $0x4  }
0xb6: {  	s18 =	simm.s32 $0x30;
	[tilespmem:v2+s13+$0x0] =	vst.idx.msk $0xffff, v1  }
0xb7: {  	v2 =	vadd.s32 s18, v0;
	v1 =	vld [tilespmem:s17+$0xFFFFFF60];
	_ =	sdelay $0x4  }
0xb8: {  	s19 =	simm.s32 $0x40;
	[tilespmem:v2+s13+$0x0] =	vst.idx.msk $0xffff, v1  }
0xb9: {  	v2 =	vadd.s32 s19, v0;
	v1 =	vld [tilespmem:s17+$0xFFFFFF70];
	_ =	sdelay $0x4  }
0xba: {  	s20 =	simm.s32 $0x50;
	[tilespmem:v2+s13+$0x0] =	vst.idx.msk $0xffff, v1  }
0xbb: {  	v2 =	vadd.s32 s20, v0;
	v1 =	vld [tilespmem:s17+$0xFFFFFF80];
	_ =	sdelay $0x4  }
0xbc: {  	s21 =	simm.s32 $0x60;
	[tilespmem:v2+s13+$0x0] =	vst.idx.msk $0xffff, v1  }
0xbd: {  	v2 =	vadd.s32 s21, v0;
	v1 =	vld [tilespmem:s17+$0xFFFFFF90];
	_ =	sdelay $0x4  }
0xbe: {  	s18 =	simm.s32 $0x70;
	[tilespmem:v2+s13+$0x0] =	vst.idx.msk $0xffff, v1  }
0xbf: {  	v2 =	vadd.s32 s18, v0;
	v1 =	vld [tilespmem:s17+$0xFFFFFFA0];
	_ =	sdelay $0x4  }
0xc0: {  	s19 =	simm.s32 $0x80;
	[tilespmem:v2+s13+$0x0] =	vst.idx.msk $0xffff, v1  }
0xc1: {  	v2 =	vadd.s32 s19, v0;
	v1 =	vld [tilespmem:s17+$0xFFFFFFB0];
	_ =	sdelay $0x4  }
0xc2: {  	s20 =	simm.s32 $0x90;
	[tilespmem:v2+s13+$0x0] =	vst.idx.msk $0xffff, v1  }
0xc3: {  	v2 =	vadd.s32 s20, v0;
	v1 =	vld [tilespmem:s17+$0xFFFFFFC0];
	_ =	sdelay $0x4  }
0xc4: {  	s21 =	simm.s32 $0xA0;
	[tilespmem:v2+s13+$0x0] =	vst.idx.msk $0xffff, v1  }
0xc5: {  	v2 =	vadd.s32 s21, v0;
	v1 =	vld [tilespmem:s17+$0xFFFFFFD0];
	_ =	sdelay $0x4  }
0xc6: {  	s18 =	simm.s32 $0xB0;
	[tilespmem:v2+s13+$0x0] =	vst.idx.msk $0xffff, v1  }
0xc7: {  	v2 =	vadd.s32 s18, v0;
	v1 =	vld [tilespmem:s17+$0xFFFFFFE0];
	_ =	sdelay $0x4  }
0xc8: {  	s19 =	simm.s32 $0xC0;
	[tilespmem:v2+s13+$0x0] =	vst.idx.msk $0xffff, v1  }
0xc9: {  	v2 =	vadd.s32 s19, v0;
	v1 =	vld [tilespmem:s17+$0xFFFFFFF0];
	_ =	sdelay $0x4  }
0xca: {  	s20 =	simm.s32 $0xD0;
	[tilespmem:v2+s13+$0x0] =	vst.idx.msk $0xffff, v1  }
0xcb: {  	v2 =	vadd.s32 s20, v0;
	v1 =	vld [tilespmem:s17+$0x0];
	_ =	sdelay $0x4  }
0xcc: {  	s21 =	simm.s32 $0xE0;
	[tilespmem:v2+s13+$0x0] =	vst.idx.msk $0xffff, v1  }
0xcd: {  	v2 =	vadd.s32 s21, v0;
	v1 =	vld [tilespmem:s17+$0x10];
	_ =	sdelay $0x4  }
0xce: {  	s18 =	simm.s32 $0xF0;
	[tilespmem:v2+s13+$0x0] =	vst.idx.msk $0xffff, v1  }
0xcf: {  	v2 =	vadd.s32 s18, v0;
	v1 =	vld [tilespmem:s17+$0x20];
	_ =	sdelay $0x4  }
0xd0: {  	s19 =	simm.s32 $0x100;
	[tilespmem:v2+s13+$0x0] =	vst.idx.msk $0xffff, v1  }
0xd1: {  	v2 =	vadd.s32 s19, v0;
	v1 =	vld [tilespmem:s17+$0x30];
	_ =	sdelay $0x4  }
0xd2: {  	s20 =	simm.s32 $0x110;
	[tilespmem:v2+s13+$0x0] =	vst.idx.msk $0xffff, v1  }
0xd3: {  	v2 =	vadd.s32 s20, v0;
	v1 =	vld [tilespmem:s17+$0x40];
	_ =	sdelay $0x4  }
0xd4: {  	s21 =	simm.s32 $0x120;
	[tilespmem:v2+s13+$0x0] =	vst.idx.msk $0xffff, v1  }
0xd5: {  	v2 =	vadd.s32 s21, v0;
	v1 =	vld [tilespmem:s17+$0x50];
	_ =	sdelay $0x4  }
0xd6: {  	s18 =	simm.s32 $0x130;
	[tilespmem:v2+s13+$0x0] =	vst.idx.msk $0xffff, v1  }
0xd7: {  	v2 =	vadd.s32 s18, v0;
	v1 =	vld [tilespmem:s17+$0x60];
	_ =	sdelay $0x4  }
0xd8: {  	s19 =	simm.s32 $0x140;
	[tilespmem:v2+s13+$0x0] =	vst.idx.msk $0xffff, v1  }
0xd9: {  	v2 =	vadd.s32 s19, v0;
	v1 =	vld [tilespmem:s17+$0x70];
	_ =	sdelay $0x4  }
0xda: {  	s20 =	simm.s32 $0x150;
	[tilespmem:v2+s13+$0x0] =	vst.idx.msk $0xffff, v1  }
0xdb: {  	v2 =	vadd.s32 s20, v0;
	v1 =	vld [tilespmem:s17+$0x80];
	_ =	sdelay $0x4  }
0xdc: {  	s21 =	simm.s32 $0x160;
	[tilespmem:v2+s13+$0x0] =	vst.idx.msk $0xffff, v1  }
0xdd: {  	v2 =	vadd.s32 s21, v0;
	v1 =	vld [tilespmem:s17+$0x90];
	_ =	sdelay $0x4  }
0xde: {  	s18 =	simm.s32 $0x170;
	[tilespmem:v2+s13+$0x0] =	vst.idx.msk $0xffff, v1  }
0xdf: {  	v2 =	vadd.s32 s18, v0;
	v1 =	vld [tilespmem:s17+$0xA0];
	_ =	sdelay $0x4  }
0xe0: {  	s19 =	simm.s32 $0x180;
	[tilespmem:v2+s13+$0x0] =	vst.idx.msk $0xffff, v1  }
0xe1: {  	v2 =	vadd.s32 s19, v0;
	v1 =	vld [tilespmem:s17+$0xB0];
	_ =	sdelay $0x4  }
0xe2: {  	s20 =	simm.s32 $0x190;
	[tilespmem:v2+s13+$0x0] =	vst.idx.msk $0xffff, v1  }
0xe3: {  	s16 =	simm.s32 $0x0;
	v2 =	vadd.s32 s20, v0;
	v1 =	vld [tilespmem:s17+$0xC0]  }
0xe4: {  	v3 =	vadd.s32 s16, v0;
	_ =	sdelay $0x3  }
0xe5: {  	s21 =	simm.s32 $0x1A0;
	[tilespmem:v2+s13+$0x0] =	vst.idx.msk $0xffff, v1  }
0xe6: {  	v2 =	vadd.s32 s21, v0;
	v1 =	vld.idx.msk [tilespmem:v3+s10+$0x0], $0xffff;
	_ =	sdelay $0x3  }
0xe7: {  	s18 =	simm.s32 $0x1C70  }
0xe8: {  	s19 =	simm.s32 $0x4FA;
	s20 =	simm.s32 $0x1AD;
	s17 =	simm.s32 $0x34D;
	[tilespmem:v2+s13+$0x0] =	vst.idx.msk $0x1fff, v1  }
.LBB2_5:
0xe9: {  	p0 =	sne.s32 s19, $0xD673;
	v1 =	vld [tilespmem:s18+$0xFFFFFF30];
	v2 =	vadd.s32 s20, v0;
	_ =	sdelay $0x4  }
0xea: {  	s20 =	sadd.s32 $0xFFFFFE70, s17;
	[tilespmem:v2+s13+$0x0] =	vst.idx.msk $0xffff, v1  }
0xeb: {  	v2 =	vadd.s32 s20, v0;
	v1 =	vld [tilespmem:s18+$0xFFFFFF40];
	_ =	sdelay $0x4  }
0xec: {  	s20 =	sadd.s32 $0xFFFFFE80, s17;
	[tilespmem:v2+s13+$0x0] =	vst.idx.msk $0xffff, v1  }
0xed: {  	v2 =	vadd.s32 s20, v0;
	v1 =	vld [tilespmem:s18+$0xFFFFFF50];
	_ =	sdelay $0x4  }
0xee: {  	s20 =	sadd.s32 $0xFFFFFE90, s17;
	[tilespmem:v2+s13+$0x0] =	vst.idx.msk $0xffff, v1  }
0xef: {  	v2 =	vadd.s32 s20, v0;
	v1 =	vld [tilespmem:s18+$0xFFFFFF60];
	_ =	sdelay $0x4  }
0xf0: {  	s20 =	sadd.s32 $0xFFFFFEA0, s17;
	[tilespmem:v2+s13+$0x0] =	vst.idx.msk $0xffff, v1  }
0xf1: {  	v2 =	vadd.s32 s20, v0;
	v1 =	vld [tilespmem:s18+$0xFFFFFF70];
	_ =	sdelay $0x4  }
0xf2: {  	s20 =	sadd.s32 $0xFFFFFEB0, s17;
	[tilespmem:v2+s13+$0x0] =	vst.idx.msk $0xffff, v1  }
0xf3: {  	v2 =	vadd.s32 s20, v0;
	v1 =	vld [tilespmem:s18+$0xFFFFFF80];
	_ =	sdelay $0x4  }
0xf4: {  	s20 =	sadd.s32 $0xFFFFFEC0, s17;
	[tilespmem:v2+s13+$0x0] =	vst.idx.msk $0xffff, v1  }
0xf5: {  	v2 =	vadd.s32 s20, v0;
	v1 =	vld [tilespmem:s18+$0xFFFFFF90];
	_ =	sdelay $0x4  }
0xf6: {  	s20 =	sadd.s32 $0xFFFFFED0, s17;
	[tilespmem:v2+s13+$0x0] =	vst.idx.msk $0xffff, v1  }
0xf7: {  	v2 =	vadd.s32 s20, v0;
	v1 =	vld [tilespmem:s18+$0xFFFFFFA0];
	_ =	sdelay $0x4  }
0xf8: {  	s20 =	sadd.s32 $0xFFFFFEE0, s17;
	[tilespmem:v2+s13+$0x0] =	vst.idx.msk $0xffff, v1  }
0xf9: {  	v2 =	vadd.s32 s20, v0;
	v1 =	vld [tilespmem:s18+$0xFFFFFFB0];
	_ =	sdelay $0x4  }
0xfa: {  	s20 =	sadd.s32 $0xFFFFFEF0, s17;
	[tilespmem:v2+s13+$0x0] =	vst.idx.msk $0xffff, v1  }
0xfb: {  	v2 =	vadd.s32 s20, v0;
	v1 =	vld [tilespmem:s18+$0xFFFFFFC0];
	_ =	sdelay $0x4  }
0xfc: {  	s20 =	sadd.s32 $0xFFFFFF00, s17;
	[tilespmem:v2+s13+$0x0] =	vst.idx.msk $0xffff, v1  }
0xfd: {  	v2 =	vadd.s32 s20, v0;
	v1 =	vld [tilespmem:s18+$0xFFFFFFD0];
	_ =	sdelay $0x4  }
0xfe: {  	s20 =	sadd.s32 $0xFFFFFF10, s17;
	[tilespmem:v2+s13+$0x0] =	vst.idx.msk $0xffff, v1  }
0xff: {  	v2 =	vadd.s32 s20, v0;
	v1 =	vld [tilespmem:s18+$0xFFFFFFE0];
	_ =	sdelay $0x4  }
0x100: {  	s20 =	sadd.s32 $0xFFFFFF20, s17;
	[tilespmem:v2+s13+$0x0] =	vst.idx.msk $0xffff, v1  }
0x101: {  	v2 =	vadd.s32 s20, v0;
	v1 =	vld [tilespmem:s18+$0xFFFFFFF0];
	_ =	sdelay $0x4  }
0x102: {  	s20 =	sadd.s32 $0xFFFFFF30, s17;
	[tilespmem:v2+s13+$0x0] =	vst.idx.msk $0xffff, v1  }
0x103: {  	v2 =	vadd.s32 s20, v0;
	v1 =	vld [tilespmem:s18+$0x0];
	_ =	sdelay $0x4  }
0x104: {  	s20 =	sadd.s32 $0xFFFFFF40, s17;
	[tilespmem:v2+s13+$0x0] =	vst.idx.msk $0xffff, v1  }
0x105: {  	v2 =	vadd.s32 s20, v0;
	v1 =	vld [tilespmem:s18+$0x10];
	_ =	sdelay $0x4  }
0x106: {  	s20 =	sadd.s32 $0xFFFFFF50, s17;
	[tilespmem:v2+s13+$0x0] =	vst.idx.msk $0xffff, v1  }
0x107: {  	v2 =	vadd.s32 s20, v0;
	v1 =	vld [tilespmem:s18+$0x20];
	_ =	sdelay $0x4  }
0x108: {  	s20 =	sadd.s32 $0xFFFFFF60, s17;
	[tilespmem:v2+s13+$0x0] =	vst.idx.msk $0xffff, v1  }
0x109: {  	v2 =	vadd.s32 s20, v0;
	v1 =	vld [tilespmem:s18+$0x30];
	_ =	sdelay $0x4  }
0x10a: {  	s20 =	sadd.s32 $0xFFFFFF70, s17;
	[tilespmem:v2+s13+$0x0] =	vst.idx.msk $0xffff, v1  }
0x10b: {  	v2 =	vadd.s32 s20, v0;
	v1 =	vld [tilespmem:s18+$0x40];
	_ =	sdelay $0x4  }
0x10c: {  	s20 =	sadd.s32 $0xFFFFFF80, s17;
	[tilespmem:v2+s13+$0x0] =	vst.idx.msk $0xffff, v1  }
0x10d: {  	v2 =	vadd.s32 s20, v0;
	v1 =	vld [tilespmem:s18+$0x50];
	_ =	sdelay $0x4  }
0x10e: {  	s20 =	sadd.s32 $0xFFFFFF90, s17;
	[tilespmem:v2+s13+$0x0] =	vst.idx.msk $0xffff, v1  }
0x10f: {  	v2 =	vadd.s32 s20, v0;
	v1 =	vld [tilespmem:s18+$0x60];
	_ =	sdelay $0x4  }
0x110: {  	s20 =	sadd.s32 $0xFFFFFFA0, s17;
	[tilespmem:v2+s13+$0x0] =	vst.idx.msk $0xffff, v1  }
0x111: {  	v2 =	vadd.s32 s20, v0;
	v1 =	vld [tilespmem:s18+$0x70];
	_ =	sdelay $0x4  }
0x112: {  	s20 =	sadd.s32 $0xFFFFFFB0, s17;
	[tilespmem:v2+s13+$0x0] =	vst.idx.msk $0xffff, v1  }
0x113: {  	v2 =	vadd.s32 s20, v0;
	v1 =	vld [tilespmem:s18+$0x80];
	_ =	sdelay $0x4  }
0x114: {  	s20 =	sadd.s32 $0xFFFFFFC0, s17;
	[tilespmem:v2+s13+$0x0] =	vst.idx.msk $0xffff, v1  }
0x115: {  	v2 =	vadd.s32 s20, v0;
	v1 =	vld [tilespmem:s18+$0x90];
	_ =	sdelay $0x4  }
0x116: {  	s20 =	sadd.s32 $0xFFFFFFD0, s17;
	[tilespmem:v2+s13+$0x0] =	vst.idx.msk $0xffff, v1  }
0x117: {  	v2 =	vadd.s32 s20, v0;
	v1 =	vld [tilespmem:s18+$0xA0];
	_ =	sdelay $0x4  }
0x118: {  	s20 =	sadd.s32 $0xFFFFFFE0, s17;
	[tilespmem:v2+s13+$0x0] =	vst.idx.msk $0xffff, v1  }
0x119: {  	v2 =	vadd.s32 s20, v0;
	v1 =	vld [tilespmem:s18+$0xB0];
	_ =	sdelay $0x4  }
0x11a: {  	s20 =	sadd.s32 $0xFFFFFFF0, s17;
	[tilespmem:v2+s13+$0x0] =	vst.idx.msk $0xffff, v1  }
0x11b: {  	s16 =	sadd.s32 $0xD, s16;
	v2 =	vadd.s32 s20, v0;
	v1 =	vld [tilespmem:s18+$0xC0]  }
0x11c: {  	v3 =	vadd.s32 s16, v0;
	_ =	sdelay $0x3  }
0x11d: {  	[tilespmem:v2+s13+$0x0] =	vst.idx.msk $0xffff, v1  }
0x11e: {  	v1 =	vld.idx.msk [tilespmem:v3+s10+$0x0], $0xffff  }
0x11f: {  	v2 =	vadd.s32 s17, v0;
	s17 =	smov.u32 s19  }
.Ltmp1:
0x120: {  	(pc) =	sbr.rel @p0 .LBB2_5-.Ltmp1, $2  }
0x121: {  	_ =	sdelay $0x2  }
0x122: {  	s18 =	sadd.s32 $0x1A0, s18;
	s19 =	sadd.s32 $0x1AD, s19;
	s20 =	sadd.s32 $0xFFFFFE60, s17;
	[tilespmem:v2+s13+$0x0] =	vst.idx.msk $0x1fff, v1  }
0x123: {  	v1 =	vld [tilespmem:s18+$0xFFFFFF30];
	v2 =	vadd.s32 s20, v0;
	_ =	sdelay $0x4  }
0x124: {  	s19 =	sadd.s32 $0xFFFFFE70, s17;
	[tilespmem:v2+s13+$0x0] =	vst.idx.msk $0xffff, v1  }
0x125: {  	v2 =	vadd.s32 s19, v0;
	v1 =	vld [tilespmem:s18+$0xFFFFFF40];
	_ =	sdelay $0x4  }
0x126: {  	s20 =	sadd.s32 $0xFFFFFE80, s17;
	[tilespmem:v2+s13+$0x0] =	vst.idx.msk $0xffff, v1  }
0x127: {  	v2 =	vadd.s32 s20, v0;
	v1 =	vld [tilespmem:s18+$0xFFFFFF50];
	_ =	sdelay $0x4  }
0x128: {  	s21 =	sadd.s32 $0xFFFFFE90, s17;
	[tilespmem:v2+s13+$0x0] =	vst.idx.msk $0xffff, v1  }
0x129: {  	v2 =	vadd.s32 s21, v0;
	v1 =	vld [tilespmem:s18+$0xFFFFFF60];
	_ =	sdelay $0x4  }
0x12a: {  	s20 =	sadd.s32 $0xFFFFFEA0, s17;
	[tilespmem:v2+s13+$0x0] =	vst.idx.msk $0xffff, v1  }
0x12b: {  	v2 =	vadd.s32 s20, v0;
	v1 =	vld [tilespmem:s18+$0xFFFFFF70];
	_ =	sdelay $0x4  }
0x12c: {  	s21 =	sadd.s32 $0xFFFFFEB0, s17;
	[tilespmem:v2+s13+$0x0] =	vst.idx.msk $0xffff, v1  }
0x12d: {  	v2 =	vadd.s32 s21, v0;
	v1 =	vld [tilespmem:s18+$0xFFFFFF80];
	_ =	sdelay $0x4  }
0x12e: {  	s20 =	sadd.s32 $0xFFFFFEC0, s17;
	[tilespmem:v2+s13+$0x0] =	vst.idx.msk $0xffff, v1  }
0x12f: {  	v2 =	vadd.s32 s20, v0;
	v1 =	vld [tilespmem:s18+$0xFFFFFF90];
	_ =	sdelay $0x4  }
0x130: {  	s21 =	sadd.s32 $0xFFFFFED0, s17;
	[tilespmem:v2+s13+$0x0] =	vst.idx.msk $0xffff, v1  }
0x131: {  	v2 =	vadd.s32 s21, v0;
	v1 =	vld [tilespmem:s18+$0xFFFFFFA0];
	_ =	sdelay $0x4  }
0x132: {  	s20 =	sadd.s32 $0xFFFFFEE0, s17;
	[tilespmem:v2+s13+$0x0] =	vst.idx.msk $0xffff, v1  }
0x133: {  	v2 =	vadd.s32 s20, v0;
	v1 =	vld [tilespmem:s18+$0xFFFFFFB0];
	_ =	sdelay $0x4  }
0x134: {  	s21 =	sadd.s32 $0xFFFFFEF0, s17;
	[tilespmem:v2+s13+$0x0] =	vst.idx.msk $0xffff, v1  }
0x135: {  	v2 =	vadd.s32 s21, v0;
	v1 =	vld [tilespmem:s18+$0xFFFFFFC0];
	_ =	sdelay $0x4  }
0x136: {  	s20 =	sadd.s32 $0xFFFFFF00, s17;
	[tilespmem:v2+s13+$0x0] =	vst.idx.msk $0xffff, v1  }
0x137: {  	v2 =	vadd.s32 s20, v0;
	v1 =	vld [tilespmem:s18+$0xFFFFFFD0];
	_ =	sdelay $0x4  }
0x138: {  	s21 =	sadd.s32 $0xFFFFFF10, s17;
	[tilespmem:v2+s13+$0x0] =	vst.idx.msk $0xffff, v1  }
0x139: {  	v2 =	vadd.s32 s21, v0;
	v1 =	vld [tilespmem:s18+$0xFFFFFFE0];
	_ =	sdelay $0x4  }
0x13a: {  	s20 =	sadd.s32 $0xFFFFFF20, s17;
	[tilespmem:v2+s13+$0x0] =	vst.idx.msk $0xffff, v1  }
0x13b: {  	v2 =	vadd.s32 s20, v0;
	v1 =	vld [tilespmem:s18+$0xFFFFFFF0];
	_ =	sdelay $0x4  }
0x13c: {  	s21 =	sadd.s32 $0xFFFFFF30, s17;
	[tilespmem:v2+s13+$0x0] =	vst.idx.msk $0xffff, v1  }
0x13d: {  	v2 =	vadd.s32 s21, v0;
	v1 =	vld [tilespmem:s18+$0x0];
	_ =	sdelay $0x4  }
0x13e: {  	s20 =	sadd.s32 $0xFFFFFF40, s17;
	[tilespmem:v2+s13+$0x0] =	vst.idx.msk $0xffff, v1  }
0x13f: {  	v2 =	vadd.s32 s20, v0;
	v1 =	vld [tilespmem:s18+$0x10];
	_ =	sdelay $0x4  }
0x140: {  	s21 =	sadd.s32 $0xFFFFFF50, s17;
	[tilespmem:v2+s13+$0x0] =	vst.idx.msk $0xffff, v1  }
0x141: {  	v2 =	vadd.s32 s21, v0;
	v1 =	vld [tilespmem:s18+$0x20];
	_ =	sdelay $0x4  }
0x142: {  	s20 =	sadd.s32 $0xFFFFFF60, s17;
	[tilespmem:v2+s13+$0x0] =	vst.idx.msk $0xffff, v1  }
0x143: {  	v2 =	vadd.s32 s20, v0;
	v1 =	vld [tilespmem:s18+$0x30];
	_ =	sdelay $0x4  }
0x144: {  	s21 =	sadd.s32 $0xFFFFFF70, s17;
	[tilespmem:v2+s13+$0x0] =	vst.idx.msk $0xffff, v1  }
0x145: {  	v2 =	vadd.s32 s21, v0;
	v1 =	vld [tilespmem:s18+$0x40];
	_ =	sdelay $0x4  }
0x146: {  	s20 =	sadd.s32 $0xFFFFFF80, s17;
	[tilespmem:v2+s13+$0x0] =	vst.idx.msk $0xffff, v1  }
0x147: {  	v2 =	vadd.s32 s20, v0;
	v1 =	vld [tilespmem:s18+$0x50];
	_ =	sdelay $0x4  }
0x148: {  	s21 =	sadd.s32 $0xFFFFFF90, s17;
	[tilespmem:v2+s13+$0x0] =	vst.idx.msk $0xffff, v1  }
0x149: {  	v2 =	vadd.s32 s21, v0;
	v1 =	vld [tilespmem:s18+$0x60];
	_ =	sdelay $0x4  }
0x14a: {  	s20 =	sadd.s32 $0xFFFFFFA0, s17;
	[tilespmem:v2+s13+$0x0] =	vst.idx.msk $0xffff, v1  }
0x14b: {  	v2 =	vadd.s32 s20, v0;
	v1 =	vld [tilespmem:s18+$0x70];
	_ =	sdelay $0x4  }
0x14c: {  	s21 =	sadd.s32 $0xFFFFFFB0, s17;
	[tilespmem:v2+s13+$0x0] =	vst.idx.msk $0xffff, v1  }
0x14d: {  	v2 =	vadd.s32 s21, v0;
	v1 =	vld [tilespmem:s18+$0x80];
	_ =	sdelay $0x4  }
0x14e: {  	s20 =	sadd.s32 $0xFFFFFFC0, s17;
	[tilespmem:v2+s13+$0x0] =	vst.idx.msk $0xffff, v1  }
0x14f: {  	v2 =	vadd.s32 s20, v0;
	v1 =	vld [tilespmem:s18+$0x90];
	_ =	sdelay $0x4  }
0x150: {  	s21 =	sadd.s32 $0xFFFFFFD0, s17;
	[tilespmem:v2+s13+$0x0] =	vst.idx.msk $0xffff, v1  }
0x151: {  	v2 =	vadd.s32 s21, v0;
	v1 =	vld [tilespmem:s18+$0xA0];
	_ =	sdelay $0x4  }
0x152: {  	s20 =	sadd.s32 $0xFFFFFFE0, s17;
	[tilespmem:v2+s13+$0x0] =	vst.idx.msk $0xffff, v1  }
0x153: {  	v2 =	vadd.s32 s20, v0;
	v1 =	vld [tilespmem:s18+$0xB0];
	_ =	sdelay $0x4  }
0x154: {  	s21 =	sadd.s32 $0xFFFFFFF0, s17;
	[tilespmem:v2+s13+$0x0] =	vst.idx.msk $0xffff, v1  }
0x155: {  	s16 =	sadd.s32 $0xD, s16;
	v2 =	vadd.s32 s21, v0;
	v1 =	vld [tilespmem:s18+$0xC0]  }
0x156: {  	v3 =	vadd.s32 s16, v0;
	_ =	sdelay $0x3  }
0x157: {  	[tilespmem:v2+s13+$0x0] =	vst.idx.msk $0xffff, v1  }
0x158: {  	v2 =	vadd.s32 s17, v0;
	v1 =	vld.idx.msk [tilespmem:v3+s10+$0x0], $0xffff;
	_ =	sdelay $0x1  }
0x159: {  	s15 =	smul.u32 $0x1AD, s15  }
0x15a: {  	s14 =	sadd.s32 $0x1, s14  }
0x15b: {  	p0 =	sne.s32 s14, $0x14;
	s15 =	sshrl.u32 s15, $0x3;
	s20 =	rddreg [dreg:$0x3]  }
.Ltmp2:
0x15c: {  	s15 =	sadd.s32 s20, s15;
	s21 =	simm.s32 $0x0;
	[tilespmem:v2+s13+$0x0] =	vst.idx.msk $0x1fff, v1;
	(pc) =	sbr.rel @p0 .LBB2_2-.Ltmp2, $4  }
0x15d: {  	[hbm4b:s15+s21] =	stream.linear.scatter [tilespmem:s13], [sflag:$0x2], $0xD680, $0x38;
	[tilespmem:$0x1C710] =	vst v63  }
0x15e: {  	_ =	swait.ge [sflag:s9], $0xD680  }
0x15f: {  	[sflag:s9] =	ssyncset.done $0x0  }
0x160: {  	[sflag:s9] =	ssyncadd.s32 $0xFFFF2980  }
0x161: {  	s15 =	rddreg [dreg:$0x6]  }
0x162: {  	s14 =	rddreg [dreg:$0x5];
	s15 =	sadd.s32 $0x1, s15  }
0x163: {  	p0 =	sne.s32 s15, s14  }
.Ltmp3:
0x164: {  	_ = 	snop;
	(pc) =	sbr.rel @p0 .LBB2_1-.Ltmp3, $1  }
0x165: {  	_ =	sdelay $0x3  }
0x166: {  	_ =	sfence.sel $0x180000  }
0x167: {  	[bflag:$0x0] =	sbarrier.arrive $0xFFFF  }
0x168: {  	_ =	strace $0x90000047  }
0x169: {  	s0 =	stileid.u32;
	[bflag:$0x2] =	sbarrier.arrive $0xFFFF  }
0x16a: {  	p0 =	sne.s32 s0, $0x0;
	s0 =	rddreg [dreg:$0x4]  }
0x16b: {  	s0 =	sadd.s32 @!p0 $0x100000, s0  }
0x16c: {  	[sflag:s0] =	ssyncadd.tile.s32 @!p0 $0x1;
	_ =	shalt  }
.Lfunc_end2:
_tile_overlayer_lowered:
.L_overlay_start_2:
0x16d: {  	(tag) =	ssettag $0x2  }
0x16e: {  	s0 =	rddreg [dreg:$0x0];
	s2 =	stileid.u32  }
0x16f: {  	s1 =	rddreg [dreg:$0x1];
	p0 =	sne.s32 s2, $0x0  }
0x170: {  	s3 =	rddreg [dreg:$0x2];
	[bflag:$0x3] =	sbarrier.arrive $0xFFFF;
	s2 =	simm.s32 @!p0 $0x1C02  }
0x171: {  	[timem:s3], [sflag:s2] =	dma.local @!p0 [hbm:s0], s1  }
0x172: {  	s0 =	simm.s32 @!p0 $0x2  }
0x173: {  	_ =	swait.ge @!p0 [sflag:s0], s1  }
0x174: {  	s1 =	ssub.s32 @!p0 $0x0, s1;
	[sflag:s0] =	ssyncset.done @!p0 $0x0  }
0x175: {  	[sflag:s0] =	ssyncadd.s32 @!p0 s1  }
0x176: {  	[bflag:$0x3] =	sbarrier.arrive $0xFFFF  }
0x177: {  	_ =	shalt  }

</sc_bundles>
